<compile_context>
chip_gen: v7x
topology: tpu7x:2x2x1
jax: 0.10.2.dev20260603
libtpu: 0.0.44.dev20260713+nightly
codegen_flags: <defaults>
</compile_context>

<pallas_src>
import functools

import jax
import jax.numpy as jnp
from jax import lax
from jax.experimental import pallas as pl
from jax.experimental.pallas import tpu as pltpu
from jax.experimental.pallas import tpu_sc as plsc

NUM_CLASSES = 22
EMB_DIM = 512
SLOT_SIZE = 2048
BATCH = 16384

NC, NS = 2, 16
NW = NC * NS
BPW = BATCH // NW
TROWS = 32
RPT = TROWS // NS


NBLK = 4
BLK = SLOT_SIZE // NBLK


def _mlp_body(embs_ref, w1_ref, b1_ref, w2_ref, b2_ref, out_ref, h_ref):
    @pl.when(pl.program_id(0) == 0)
    def _h():
        e = jnp.concatenate(
            [embs_ref[...], jnp.zeros((TROWS - NUM_CLASSES, EMB_DIM), jnp.float32)],
            axis=0,
        )
        h = jnp.dot(e, w1_ref[...], preferred_element_type=jnp.float32)
        h = h + b1_ref[...]
        h_ref[...] = 0.5 * h * (1.0 + lax.erf(h * 0.7071067811865476))

    out = jnp.dot(h_ref[...], w2_ref[...], preferred_element_type=jnp.float32)
    out_ref[...] = out + b2_ref[...]


def _mlp(embs, W1, b1, W2, b2):
    return pl.pallas_call(
        _mlp_body,
        grid=(NBLK,),
        in_specs=[
            pl.BlockSpec((NUM_CLASSES, EMB_DIM), lambda j: (0, 0)),
            pl.BlockSpec((EMB_DIM, 4 * EMB_DIM), lambda j: (0, 0)),
            pl.BlockSpec((1, 4 * EMB_DIM), lambda j: (0, 0)),
            pl.BlockSpec((4 * EMB_DIM, BLK), lambda j: (0, j)),
            pl.BlockSpec((1, BLK), lambda j: (0, j)),
        ],
        out_specs=pl.BlockSpec((TROWS, BLK), lambda j: (0, j)),
        scratch_shapes=[pltpu.VMEM((TROWS, 4 * EMB_DIM), jnp.float32)],
        out_shape=jax.ShapeDtypeStruct((TROWS, SLOT_SIZE), jnp.float32),
    )(embs, W1, b1.reshape(1, -1), W2, b2.reshape(1, -1))


_mesh = plsc.VectorSubcoreMesh(core_axis_name="c", subcore_axis_name="s")


@functools.partial(
    pl.kernel,
    mesh=_mesh,
    out_type=jax.ShapeDtypeStruct((BATCH, SLOT_SIZE), jnp.float32),
    scratch_types=[
        pltpu.VMEM((BPW,), jnp.int32),
        pltpu.VMEM((TROWS, SLOT_SIZE), jnp.float32),
        pltpu.VMEM_SHARED((TROWS, SLOT_SIZE), jnp.float32),
        pltpu.SemaphoreType.DMA,
        pltpu.SemaphoreType.DMA,
    ],
)
def _gather(labels_hbm, table_hbm, out_hbm, idx_v, table_v, table_s, sem, lsem):
    cid = lax.axis_index("c")
    sid = lax.axis_index("s")
    wid = sid * NC + cid
    base = wid * BPW
    labels_cp = pltpu.async_copy(labels_hbm.at[pl.ds(base, BPW)], idx_v, lsem)

    pltpu.sync_copy(
        table_hbm.at[pl.ds(sid * RPT, RPT)], table_s.at[pl.ds(sid * RPT, RPT)]
    )
    plsc.subcore_barrier()
    pltpu.sync_copy(table_s, table_v)
    labels_cp.wait()

    K = 16

    def outer(w, carry):
        labs = idx_v[pl.ds(w * K, K)]
        for j in range(K):
            pltpu.async_copy(table_v.at[labs[j]], out_hbm.at[base + w * K + j], sem)
        pltpu.make_async_copy(
            table_v.at[pl.ds(0, K)], out_hbm.at[pl.ds(base + w * K, K)], sem
        ).wait()
        return carry

    lax.fori_loop(0, BPW // K, outer, 0, unroll=False)


def kernel(labels, embs, W1, b1, W2, b2):
    proj = _mlp(embs, W1, b1, W2, b2)
    return _gather(labels.astype(jnp.int32), proj)

# --- scband reference (transcript-rebuilt; emitter-appended) ---
"""Pipeline reference for scband-text-encoder-63230508532166 (READ-ONLY COPY).

The authoritative reference and input builder live on the scoring server;
editing this copy changes nothing except your own understanding.
"""

import jax, jax.numpy as jnp
import numpy as np

NUM_CLASSES = 22  # 21 VOC classes + 'null'
EMB_DIM = 512     # CLIP ViT-B/16 text_projection output dim
SLOT_SIZE = 2048
BATCH = 16384

def setup_inputs(seed: int = 0) -> dict:
    key = jax.random.key(seed)
    k1, k2, k3, k4, k5, k6 = jax.random.split(key, 6)
    embs = jax.random.normal(k1, (NUM_CLASSES, EMB_DIM), dtype=jnp.float32)
    W1 = jax.random.normal(k2, (EMB_DIM, 4 * EMB_DIM), dtype=jnp.float32) * (1.0 / np.sqrt(EMB_DIM))
    b1 = jnp.zeros((4 * EMB_DIM,), dtype=jnp.float32)
    W2 = jax.random.normal(k3, (4 * EMB_DIM, SLOT_SIZE), dtype=jnp.float32) * (1.0 / np.sqrt(4 * EMB_DIM))
    b2 = jnp.zeros((SLOT_SIZE,), dtype=jnp.float32)
    labels = jax.random.randint(k4, (BATCH,), 0, NUM_CLASSES, dtype=jnp.int64 if jax.config.jax_enable_x64 else jnp.int32)
    return {"labels": labels, "embs": embs, "W1": W1, "b1": b1, "W2": W2, "b2": b2}

def reference(labels, embs, W1, b1, W2, b2):
    # mlp(embs): Linear -> GELU(exact, matching torch nn.GELU default) -> Linear
    h = jnp.dot(embs, W1) + b1
    h = jax.nn.gelu(h, approximate=False)
    proj = jnp.dot(h, W2) + b2  # [22, slot_size]
    # embedding-style lookup: proj[labels]
    return jnp.take(proj, labels, axis=0)

if __name__ == "__main__":
    import jax
    _d = setup_inputs()
    print(jax.jit(kernel)(*tuple(_d.values())))

</pallas_src>

<mosaic_0001>
#map = affine_map<(d0, d1) -> (0)>
#map1 = affine_map<(d0, d1) -> (0, 0)>
module attributes {stable_mosaic.version = 14 : i64} {
  func.func @_gather(%arg0: i32, %arg1: i32, %arg2: memref<16384xi32, #tpu.memory_space<hbm>>, %arg3: memref<32x2048xf32, #tpu.memory_space<hbm>>, %arg4: memref<16384x2048xf32, #tpu.memory_space<hbm>>, %arg5: memref<512xi32, #tpu.memory_space<vmem>>, %arg6: memref<32x2048xf32, #tpu.memory_space<vmem>>, %arg7: memref<32x2048xf32, #tpu.memory_space<vmem_shared>>, %arg8: memref<!tpu.dma_semaphore, #tpu.memory_space<semaphore_mem>>, %arg9: memref<!tpu.dma_semaphore, #tpu.memory_space<semaphore_mem>>) attributes {dimension_semantics = [#tpu.dimension_semantics<core_parallel>, #tpu.dimension_semantics<subcore_parallel>], iteration_bounds = array<i64: 2, 16>, scalar_prefetch = 0 : i64, scratch_operands = 5 : i64, tpu.core_type = #tpu.core_type<sc_vector_subcore>, window_params = [{transform_indices = #map}, {transform_indices = #map1}, {transform_indices = #map1}]} {
    %mul3A = arith.constant 2 : i32
    %mul3A_0 = arith.muli %arg1, %mul3A : i32
    %add3A = arith.addi %mul3A_0, %arg0 : i32
    %mul3A_1 = arith.constant 512 : i32
    %mul3A_2 = arith.muli %add3A, %mul3A_1 : i32
    %dma_start3A = tpu.memref_slice %arg2[%mul3A_2] : memref<16384xi32, #tpu.memory_space<hbm>> -> memref<512xi32, #tpu.memory_space<hbm>>
    %dma_start3A_3 = tpu.memref_slice %arg2[%mul3A_2] : memref<16384xi32, #tpu.memory_space<hbm>> -> memref<512xi32, #tpu.memory_space<hbm>>
    tpu.enqueue_dma source(%dma_start3A_3 : memref<512xi32, #tpu.memory_space<hbm>>) target(%arg5 : memref<512xi32, #tpu.memory_space<vmem>>) target_semaphore(%arg9 : memref<!tpu.dma_semaphore, #tpu.memory_space<semaphore_mem>>)
    %mul3A_4 = arith.constant 2 : i32
    %mul3A_5 = arith.muli %arg1, %mul3A_4 : i32
    %mul3A_6 = arith.constant 2 : i32
    %mul3A_7 = arith.muli %arg1, %mul3A_6 : i32
    "tpu.region"() ({
      %run_scoped3A = tpu.sem_alloc : memref<!tpu.dma_semaphore, #tpu.memory_space<semaphore_mem>>
      %dma_start3A_14 = arith.constant 0 : i32
      %dma_start3A_15 = tpu.memref_slice %arg7[%mul3A_7, %dma_start3A_14] : memref<32x2048xf32, #tpu.memory_space<vmem_shared>> -> memref<2x2048xf32, #tpu.memory_space<vmem_shared>>
      %dma_start3A_16 = arith.constant 0 : i32
      %dma_start3A_17 = tpu.memref_slice %arg3[%mul3A_5, %dma_start3A_16] : memref<32x2048xf32, #tpu.memory_space<hbm>> -> memref<2x2048xf32, #tpu.memory_space<hbm>>
      tpu.enqueue_dma source(%dma_start3A_17 : memref<2x2048xf32, #tpu.memory_space<hbm>>) target(%dma_start3A_15 : memref<2x2048xf32, #tpu.memory_space<vmem_shared>>) target_semaphore(%run_scoped3A : memref<!tpu.dma_semaphore, #tpu.memory_space<semaphore_mem>>)
      %dma_wait3A_18 = arith.constant 0 : i32
      %dma_wait3A_19 = tpu.memref_slice %arg7[%mul3A_7, %dma_wait3A_18] : memref<32x2048xf32, #tpu.memory_space<vmem_shared>> -> memref<2x2048xf32, #tpu.memory_space<vmem_shared>>
      %dma_wait3A_20 = arith.constant 0 : i32
      %dma_wait3A_21 = tpu.memref_slice %arg3[%mul3A_5, %dma_wait3A_20] : memref<32x2048xf32, #tpu.memory_space<hbm>> -> memref<2x2048xf32, #tpu.memory_space<hbm>>
      tpu.wait_dma2 semaphore(%run_scoped3A : memref<!tpu.dma_semaphore, #tpu.memory_space<semaphore_mem>>) src(%dma_wait3A_21 : memref<2x2048xf32, #tpu.memory_space<hbm>>) dst(%dma_wait3A_19 : memref<2x2048xf32, #tpu.memory_space<vmem_shared>>)
      tpu.yield
    }) : () -> ()
    %barrier3A = arith.constant 0 : index
    tpu.barrier barrier_id(%barrier3A)
    "tpu.region"() ({
      %run_scoped3A = tpu.sem_alloc : memref<!tpu.dma_semaphore, #tpu.memory_space<semaphore_mem>>
      tpu.enqueue_dma source(%arg7 : memref<32x2048xf32, #tpu.memory_space<vmem_shared>>) target(%arg6 : memref<32x2048xf32, #tpu.memory_space<vmem>>) target_semaphore(%run_scoped3A : memref<!tpu.dma_semaphore, #tpu.memory_space<semaphore_mem>>)
      tpu.wait_dma2 semaphore(%run_scoped3A : memref<!tpu.dma_semaphore, #tpu.memory_space<semaphore_mem>>) src(%arg7 : memref<32x2048xf32, #tpu.memory_space<vmem_shared>>) dst(%arg6 : memref<32x2048xf32, #tpu.memory_space<vmem>>)
      tpu.yield
    }) : () -> ()
    %dma_wait3A = tpu.memref_slice %arg2[%mul3A_2] : memref<16384xi32, #tpu.memory_space<hbm>> -> memref<512xi32, #tpu.memory_space<hbm>>
    %dma_wait3A_8 = tpu.memref_slice %arg2[%mul3A_2] : memref<16384xi32, #tpu.memory_space<hbm>> -> memref<512xi32, #tpu.memory_space<hbm>>
    tpu.wait_dma2 semaphore(%arg9 : memref<!tpu.dma_semaphore, #tpu.memory_space<semaphore_mem>>) src(%dma_wait3A_8 : memref<512xi32, #tpu.memory_space<hbm>>) dst(%arg5 : memref<512xi32, #tpu.memory_space<vmem>>)
    %scan3A = arith.constant 0 : i32
    %scan3A_9 = arith.constant 0 : i32
    %scan3A_10 = arith.constant 32 : i32
    %scan3A_11 = arith.addi %scan3A_9, %scan3A_10 : i32
    %scan3A_12 = arith.constant 1 : i32
    scf.for %scan3A_14 = %scan3A_9 to %scan3A_11 step %scan3A_12  : i32 {
      %mul3A_15 = arith.constant 16 : i32
      %mul3A_16 = arith.muli %scan3A_14, %mul3A_15 : i32
      %get3A = arith.index_cast %mul3A_16 : i32 to index
      %get3A_17 = tpu.vector_load %arg5[%get3A] {strides = array<i32>} : memref<512xi32, #tpu.memory_space<vmem>>, vector<16xi32>,
      %get3A_18 = vector.shape_cast %get3A_17 : vector<16xi32> to vector<16xi32>
      %slice3A = vector.extract_strided_slice %get3A_18 {offsets = [0], sizes = [1], strides = [1]} : vector<16xi32> to vector<1xi32>
      %squeeze3A = vector.extract %slice3A[0] : i32 from vector<1xi32>
      %mul3A_19 = arith.constant 16 : i32
      %mul3A_20 = arith.muli %scan3A_14, %mul3A_19 : i32
      %add3A_21 = arith.addi %mul3A_2, %mul3A_20 : i32
      %add3A_22 = arith.constant 0 : i32
      %add3A_23 = arith.addi %add3A_21, %add3A_22 : i32
      %dma_start3A_24 = arith.constant 0 : i32
      %dma_start3A_25 = tpu.memref_slice %arg6[%squeeze3A, %dma_start3A_24] : memref<32x2048xf32, #tpu.memory_space<vmem>> -> memref<1x2048xf32, #tpu.memory_space<vmem>>
      %dma_start3A_26 = tpu.memref_squeeze %dma_start3A_25 : memref<1x2048xf32, #tpu.memory_space<vmem>> -> memref<2048xf32, #tpu.memory_space<vmem>>
      %dma_start3A_27 = arith.constant 0 : i32
      %dma_start3A_28 = tpu.memref_slice %arg4[%add3A_23, %dma_start3A_27] : memref<16384x2048xf32, #tpu.memory_space<hbm>> -> memref<1x2048xf32, #tpu.memory_space<hbm>>
      %dma_start3A_29 = tpu.memref_squeeze %dma_start3A_28 : memref<1x2048xf32, #tpu.memory_space<hbm>> -> memref<2048xf32, #tpu.memory_space<hbm>>
      %dma_start3A_30 = arith.constant 0 : i32
      %dma_start3A_31 = tpu.memref_slice %arg4[%add3A_23, %dma_start3A_30] : memref<16384x2048xf32, #tpu.memory_space<hbm>> -> memref<1x2048xf32, #tpu.memory_space<hbm>>
      %dma_start3A_32 = tpu.memref_squeeze %dma_start3A_31 : memref<1x2048xf32, #tpu.memory_space<hbm>> -> memref<2048xf32, #tpu.memory_space<hbm>>
      %dma_start3A_33 = arith.constant 0 : i32
      %dma_start3A_34 = tpu.memref_slice %arg6[%squeeze3A, %dma_start3A_33] : memref<32x2048xf32, #tpu.memory_space<vmem>> -> memref<1x2048xf32, #tpu.memory_space<vmem>>
      %dma_start3A_35 = tpu.memref_squeeze %dma_start3A_34 : memref<1x2048xf32, #tpu.memory_space<vmem>> -> memref<2048xf32, #tpu.memory_space<vmem>>
      tpu.enqueue_dma source(%dma_start3A_35 : memref<2048xf32, #tpu.memory_space<vmem>>) target(%dma_start3A_32 : memref<2048xf32, #tpu.memory_space<hbm>>) target_semaphore(%arg8 : memref<!tpu.dma_semaphore, #tpu.memory_space<semaphore_mem>>)
      %slice3A_36 = vector.extract_strided_slice %get3A_18 {offsets = [1], sizes = [1], strides = [1]} : vector<16xi32> to vector<1xi32>
      %squeeze3A_37 = vector.extract %slice3A_36[0] : i32 from vector<1xi32>
      %mul3A_38 = arith.constant 16 : i32
      %mul3A_39 = arith.muli %scan3A_14, %mul3A_38 : i32
      %add3A_40 = arith.addi %mul3A_2, %mul3A_39 : i32
      %add3A_41 = arith.constant 1 : i32
      %add3A_42 = arith.addi %add3A_40, %add3A_41 : i32
      %dma_start3A_43 = arith.constant 0 : i32
      %dma_start3A_44 = tpu.memref_slice %arg6[%squeeze3A_37, %dma_start3A_43] : memref<32x2048xf32, #tpu.memory_space<vmem>> -> memref<1x2048xf32, #tpu.memory_space<vmem>>
      %dma_start3A_45 = tpu.memref_squeeze %dma_start3A_44 : memref<1x2048xf32, #tpu.memory_space<vmem>> -> memref<2048xf32, #tpu.memory_space<vmem>>
      %dma_start3A_46 = arith.constant 0 : i32
      %dma_start3A_47 = tpu.memref_slice %arg4[%add3A_42, %dma_start3A_46] : memref<16384x2048xf32, #tpu.memory_space<hbm>> -> memref<1x2048xf32, #tpu.memory_space<hbm>>
      %dma_start3A_48 = tpu.memref_squeeze %dma_start3A_47 : memref<1x2048xf32, #tpu.memory_space<hbm>> -> memref<2048xf32, #tpu.memory_space<hbm>>
      %dma_start3A_49 = arith.constant 0 : i32
      %dma_start3A_50 = tpu.memref_slice %arg4[%add3A_42, %dma_start3A_49] : memref<16384x2048xf32, #tpu.memory_space<hbm>> -> memref<1x2048xf32, #tpu.memory_space<hbm>>
      %dma_start3A_51 = tpu.memref_squeeze %dma_start3A_50 : memref<1x2048xf32, #tpu.memory_space<hbm>> -> memref<2048xf32, #tpu.memory_space<hbm>>
      %dma_start3A_52 = arith.constant 0 : i32
      %dma_start3A_53 = tpu.memref_slice %arg6[%squeeze3A_37, %dma_start3A_52] : memref<32x2048xf32, #tpu.memory_space<vmem>> -> memref<1x2048xf32, #tpu.memory_space<vmem>>
      %dma_start3A_54 = tpu.memref_squeeze %dma_start3A_53 : memref<1x2048xf32, #tpu.memory_space<vmem>> -> memref<2048xf32, #tpu.memory_space<vmem>>
      tpu.enqueue_dma source(%dma_start3A_54 : memref<2048xf32, #tpu.memory_space<vmem>>) target(%dma_start3A_51 : memref<2048xf32, #tpu.memory_space<hbm>>) target_semaphore(%arg8 : memref<!tpu.dma_semaphore, #tpu.memory_space<semaphore_mem>>)
      %slice3A_55 = vector.extract_strided_slice %get3A_18 {offsets = [2], sizes = [1], strides = [1]} : vector<16xi32> to vector<1xi32>
      %squeeze3A_56 = vector.extract %slice3A_55[0] : i32 from vector<1xi32>
      %mul3A_57 = arith.constant 16 : i32
      %mul3A_58 = arith.muli %scan3A_14, %mul3A_57 : i32
      %add3A_59 = arith.addi %mul3A_2, %mul3A_58 : i32
      %add3A_60 = arith.constant 2 : i32
      %add3A_61 = arith.addi %add3A_59, %add3A_60 : i32
      %dma_start3A_62 = arith.constant 0 : i32
      %dma_start3A_63 = tpu.memref_slice %arg6[%squeeze3A_56, %dma_start3A_62] : memref<32x2048xf32, #tpu.memory_space<vmem>> -> memref<1x2048xf32, #tpu.memory_space<vmem>>
      %dma_start3A_64 = tpu.memref_squeeze %dma_start3A_63 : memref<1x2048xf32, #tpu.memory_space<vmem>> -> memref<2048xf32, #tpu.memory_space<vmem>>
      %dma_start3A_65 = arith.constant 0 : i32
      %dma_start3A_66 = tpu.memref_slice %arg4[%add3A_61, %dma_start3A_65] : memref<16384x2048xf32, #tpu.memory_space<hbm>> -> memref<1x2048xf32, #tpu.memory_space<hbm>>
      %dma_start3A_67 = tpu.memref_squeeze %dma_start3A_66 : memref<1x2048xf32, #tpu.memory_space<hbm>> -> memref<2048xf32, #tpu.memory_space<hbm>>
      %dma_start3A_68 = arith.constant 0 : i32
      %dma_start3A_69 = tpu.memref_slice %arg4[%add3A_61, %dma_start3A_68] : memref<16384x2048xf32, #tpu.memory_space<hbm>> -> memref<1x2048xf32, #tpu.memory_space<hbm>>
      %dma_start3A_70 = tpu.memref_squeeze %dma_start3A_69 : memref<1x2048xf32, #tpu.memory_space<hbm>> -> memref<2048xf32, #tpu.memory_space<hbm>>
      %dma_start3A_71 = arith.constant 0 : i32
      %dma_start3A_72 = tpu.memref_slice %arg6[%squeeze3A_56, %dma_start3A_71] : memref<32x2048xf32, #tpu.memory_space<vmem>> -> memref<1x2048xf32, #tpu.memory_space<vmem>>
      %dma_start3A_73 = tpu.memref_squeeze %dma_start3A_72 : memref<1x2048xf32, #tpu.memory_space<vmem>> -> memref<2048xf32, #tpu.memory_space<vmem>>
      tpu.enqueue_dma source(%dma_start3A_73 : memref<2048xf32, #tpu.memory_space<vmem>>) target(%dma_start3A_70 : memref<2048xf32, #tpu.memory_space<hbm>>) target_semaphore(%arg8 : memref<!tpu.dma_semaphore, #tpu.memory_space<semaphore_mem>>)
      %slice3A_74 = vector.extract_strided_slice %get3A_18 {offsets = [3], sizes = [1], strides = [1]} : vector<16xi32> to vector<1xi32>
      %squeeze3A_75 = vector.extract %slice3A_74[0] : i32 from vector<1xi32>
      %mul3A_76 = arith.constant 16 : i32
      %mul3A_77 = arith.muli %scan3A_14, %mul3A_76 : i32
      %add3A_78 = arith.addi %mul3A_2, %mul3A_77 : i32
      %add3A_79 = arith.constant 3 : i32
      %add3A_80 = arith.addi %add3A_78, %add3A_79 : i32
      %dma_start3A_81 = arith.constant 0 : i32
      %dma_start3A_82 = tpu.memref_slice %arg6[%squeeze3A_75, %dma_start3A_81] : memref<32x2048xf32, #tpu.memory_space<vmem>> -> memref<1x2048xf32, #tpu.memory_space<vmem>>
      %dma_start3A_83 = tpu.memref_squeeze %dma_start3A_82 : memref<1x2048xf32, #tpu.memory_space<vmem>> -> memref<2048xf32, #tpu.memory_space<vmem>>
      %dma_start3A_84 = arith.constant 0 : i32
      %dma_start3A_85 = tpu.memref_slice %arg4[%add3A_80, %dma_start3A_84] : memref<16384x2048xf32, #tpu.memory_space<hbm>> -> memref<1x2048xf32, #tpu.memory_space<hbm>>
      %dma_start3A_86 = tpu.memref_squeeze %dma_start3A_85 : memref<1x2048xf32, #tpu.memory_space<hbm>> -> memref<2048xf32, #tpu.memory_space<hbm>>
      %dma_start3A_87 = arith.constant 0 : i32
      %dma_start3A_88 = tpu.memref_slice %arg4[%add3A_80, %dma_start3A_87] : memref<16384x2048xf32, #tpu.memory_space<hbm>> -> memref<1x2048xf32, #tpu.memory_space<hbm>>
      %dma_start3A_89 = tpu.memref_squeeze %dma_start3A_88 : memref<1x2048xf32, #tpu.memory_space<hbm>> -> memref<2048xf32, #tpu.memory_space<hbm>>
      %dma_start3A_90 = arith.constant 0 : i32
      %dma_start3A_91 = tpu.memref_slice %arg6[%squeeze3A_75, %dma_start3A_90] : memref<32x2048xf32, #tpu.memory_space<vmem>> -> memref<1x2048xf32, #tpu.memory_space<vmem>>
      %dma_start3A_92 = tpu.memref_squeeze %dma_start3A_91 : memref<1x2048xf32, #tpu.memory_space<vmem>> -> memref<2048xf32, #tpu.memory_space<vmem>>
      tpu.enqueue_dma source(%dma_start3A_92 : memref<2048xf32, #tpu.memory_space<vmem>>) target(%dma_start3A_89 : memref<2048xf32, #tpu.memory_space<hbm>>) target_semaphore(%arg8 : memref<!tpu.dma_semaphore, #tpu.memory_space<semaphore_mem>>)
      %slice3A_93 = vector.extract_strided_slice %get3A_18 {offsets = [4], sizes = [1], strides = [1]} : vector<16xi32> to vector<1xi32>
      %squeeze3A_94 = vector.extract %slice3A_93[0] : i32 from vector<1xi32>
      %mul3A_95 = arith.constant 16 : i32
      %mul3A_96 = arith.muli %scan3A_14, %mul3A_95 : i32
      %add3A_97 = arith.addi %mul3A_2, %mul3A_96 : i32
      %add3A_98 = arith.constant 4 : i32
      %add3A_99 = arith.addi %add3A_97, %add3A_98 : i32
      %dma_start3A_100 = arith.constant 0 : i32
      %dma_start3A_101 = tpu.memref_slice %arg6[%squeeze3A_94, %dma_start3A_100] : memref<32x2048xf32, #tpu.memory_space<vmem>> -> memref<1x2048xf32, #tpu.memory_space<vmem>>
      %dma_start3A_102 = tpu.memref_squeeze %dma_start3A_101 : memref<1x2048xf32, #tpu.memory_space<vmem>> -> memref<2048xf32, #tpu.memory_space<vmem>>
      %dma_start3A_103 = arith.constant 0 : i32
      %dma_start3A_104 = tpu.memref_slice %arg4[%add3A_99, %dma_start3A_103] : memref<16384x2048xf32, #tpu.memory_space<hbm>> -> memref<1x2048xf32, #tpu.memory_space<hbm>>
      %dma_start3A_105 = tpu.memref_squeeze %dma_start3A_104 : memref<1x2048xf32, #tpu.memory_space<hbm>> -> memref<2048xf32, #tpu.memory_space<hbm>>
      %dma_start3A_106 = arith.constant 0 : i32
      %dma_start3A_107 = tpu.memref_slice %arg4[%add3A_99, %dma_start3A_106] : memref<16384x2048xf32, #tpu.memory_space<hbm>> -> memref<1x2048xf32, #tpu.memory_space<hbm>>
      %dma_start3A_108 = tpu.memref_squeeze %dma_start3A_107 : memref<1x2048xf32, #tpu.memory_space<hbm>> -> memref<2048xf32, #tpu.memory_space<hbm>>
      %dma_start3A_109 = arith.constant 0 : i32
      %dma_start3A_110 = tpu.memref_slice %arg6[%squeeze3A_94, %dma_start3A_109] : memref<32x2048xf32, #tpu.memory_space<vmem>> -> memref<1x2048xf32, #tpu.memory_space<vmem>>
      %dma_start3A_111 = tpu.memref_squeeze %dma_start3A_110 : memref<1x2048xf32, #tpu.memory_space<vmem>> -> memref<2048xf32, #tpu.memory_space<vmem>>
      tpu.enqueue_dma source(%dma_start3A_111 : memref<2048xf32, #tpu.memory_space<vmem>>) target(%dma_start3A_108 : memref<2048xf32, #tpu.memory_space<hbm>>) target_semaphore(%arg8 : memref<!tpu.dma_semaphore, #tpu.memory_space<semaphore_mem>>)
      %slice3A_112 = vector.extract_strided_slice %get3A_18 {offsets = [5], sizes = [1], strides = [1]} : vector<16xi32> to vector<1xi32>
      %squeeze3A_113 = vector.extract %slice3A_112[0] : i32 from vector<1xi32>
      %mul3A_114 = arith.constant 16 : i32
      %mul3A_115 = arith.muli %scan3A_14, %mul3A_114 : i32
      %add3A_116 = arith.addi %mul3A_2, %mul3A_115 : i32
      %add3A_117 = arith.constant 5 : i32
      %add3A_118 = arith.addi %add3A_116, %add3A_117 : i32
      %dma_start3A_119 = arith.constant 0 : i32
      %dma_start3A_120 = tpu.memref_slice %arg6[%squeeze3A_113, %dma_start3A_119] : memref<32x2048xf32, #tpu.memory_space<vmem>> -> memref<1x2048xf32, #tpu.memory_space<vmem>>
      %dma_start3A_121 = tpu.memref_squeeze %dma_start3A_120 : memref<1x2048xf32, #tpu.memory_space<vmem>> -> memref<2048xf32, #tpu.memory_space<vmem>>
      %dma_start3A_122 = arith.constant 0 : i32
      %dma_start3A_123 = tpu.memref_slice %arg4[%add3A_118, %dma_start3A_122] : memref<16384x2048xf32, #tpu.memory_space<hbm>> -> memref<1x2048xf32, #tpu.memory_space<hbm>>
      %dma_start3A_124 = tpu.memref_squeeze %dma_start3A_123 : memref<1x2048xf32, #tpu.memory_space<hbm>> -> memref<2048xf32, #tpu.memory_space<hbm>>
      %dma_start3A_125 = arith.constant 0 : i32
      %dma_start3A_126 = tpu.memref_slice %arg4[%add3A_118, %dma_start3A_125] : memref<16384x2048xf32, #tpu.memory_space<hbm>> -> memref<1x2048xf32, #tpu.memory_space<hbm>>
      %dma_start3A_127 = tpu.memref_squeeze %dma_start3A_126 : memref<1x2048xf32, #tpu.memory_space<hbm>> -> memref<2048xf32, #tpu.memory_space<hbm>>
      %dma_start3A_128 = arith.constant 0 : i32
      %dma_start3A_129 = tpu.memref_slice %arg6[%squeeze3A_113, %dma_start3A_128] : memref<32x2048xf32, #tpu.memory_space<vmem>> -> memref<1x2048xf32, #tpu.memory_space<vmem>>
      %dma_start3A_130 = tpu.memref_squeeze %dma_start3A_129 : memref<1x2048xf32, #tpu.memory_space<vmem>> -> memref<2048xf32, #tpu.memory_space<vmem>>
      tpu.enqueue_dma source(%dma_start3A_130 : memref<2048xf32, #tpu.memory_space<vmem>>) target(%dma_start3A_127 : memref<2048xf32, #tpu.memory_space<hbm>>) target_semaphore(%arg8 : memref<!tpu.dma_semaphore, #tpu.memory_space<semaphore_mem>>)
      %slice3A_131 = vector.extract_strided_slice %get3A_18 {offsets = [6], sizes = [1], strides = [1]} : vector<16xi32> to vector<1xi32>
      %squeeze3A_132 = vector.extract %slice3A_131[0] : i32 from vector<1xi32>
      %mul3A_133 = arith.constant 16 : i32
      %mul3A_134 = arith.muli %scan3A_14, %mul3A_133 : i32
      %add3A_135 = arith.addi %mul3A_2, %mul3A_134 : i32
      %add3A_136 = arith.constant 6 : i32
      %add3A_137 = arith.addi %add3A_135, %add3A_136 : i32
      %dma_start3A_138 = arith.constant 0 : i32
      %dma_start3A_139 = tpu.memref_slice %arg6[%squeeze3A_132, %dma_start3A_138] : memref<32x2048xf32, #tpu.memory_space<vmem>> -> memref<1x2048xf32, #tpu.memory_space<vmem>>
      %dma_start3A_140 = tpu.memref_squeeze %dma_start3A_139 : memref<1x2048xf32, #tpu.memory_space<vmem>> -> memref<2048xf32, #tpu.memory_space<vmem>>
      %dma_start3A_141 = arith.constant 0 : i32
      %dma_start3A_142 = tpu.memref_slice %arg4[%add3A_137, %dma_start3A_141] : memref<16384x2048xf32, #tpu.memory_space<hbm>> -> memref<1x2048xf32, #tpu.memory_space<hbm>>
      %dma_start3A_143 = tpu.memref_squeeze %dma_start3A_142 : memref<1x2048xf32, #tpu.memory_space<hbm>> -> memref<2048xf32, #tpu.memory_space<hbm>>
      %dma_start3A_144 = arith.constant 0 : i32
      %dma_start3A_145 = tpu.memref_slice %arg4[%add3A_137, %dma_start3A_144] : memref<16384x2048xf32, #tpu.memory_space<hbm>> -> memref<1x2048xf32, #tpu.memory_space<hbm>>
      %dma_start3A_146 = tpu.memref_squeeze %dma_start3A_145 : memref<1x2048xf32, #tpu.memory_space<hbm>> -> memref<2048xf32, #tpu.memory_space<hbm>>
      %dma_start3A_147 = arith.constant 0 : i32
      %dma_start3A_148 = tpu.memref_slice %arg6[%squeeze3A_132, %dma_start3A_147] : memref<32x2048xf32, #tpu.memory_space<vmem>> -> memref<1x2048xf32, #tpu.memory_space<vmem>>
      %dma_start3A_149 = tpu.memref_squeeze %dma_start3A_148 : memref<1x2048xf32, #tpu.memory_space<vmem>> -> memref<2048xf32, #tpu.memory_space<vmem>>
      tpu.enqueue_dma source(%dma_start3A_149 : memref<2048xf32, #tpu.memory_space<vmem>>) target(%dma_start3A_146 : memref<2048xf32, #tpu.memory_space<hbm>>) target_semaphore(%arg8 : memref<!tpu.dma_semaphore, #tpu.memory_space<semaphore_mem>>)
      %slice3A_150 = vector.extract_strided_slice %get3A_18 {offsets = [7], sizes = [1], strides = [1]} : vector<16xi32> to vector<1xi32>
      %squeeze3A_151 = vector.extract %slice3A_150[0] : i32 from vector<1xi32>
      %mul3A_152 = arith.constant 16 : i32
      %mul3A_153 = arith.muli %scan3A_14, %mul3A_152 : i32
      %add3A_154 = arith.addi %mul3A_2, %mul3A_153 : i32
      %add3A_155 = arith.constant 7 : i32
      %add3A_156 = arith.addi %add3A_154, %add3A_155 : i32
      %dma_start3A_157 = arith.constant 0 : i32
      %dma_start3A_158 = tpu.memref_slice %arg6[%squeeze3A_151, %dma_start3A_157] : memref<32x2048xf32, #tpu.memory_space<vmem>> -> memref<1x2048xf32, #tpu.memory_space<vmem>>
      %dma_start3A_159 = tpu.memref_squeeze %dma_start3A_158 : memref<1x2048xf32, #tpu.memory_space<vmem>> -> memref<2048xf32, #tpu.memory_space<vmem>>
      %dma_start3A_160 = arith.constant 0 : i32
      %dma_start3A_161 = tpu.memref_slice %arg4[%add3A_156, %dma_start3A_160] : memref<16384x2048xf32, #tpu.memory_space<hbm>> -> memref<1x2048xf32, #tpu.memory_space<hbm>>
      %dma_start3A_162 = tpu.memref_squeeze %dma_start3A_161 : memref<1x2048xf32, #tpu.memory_space<hbm>> -> memref<2048xf32, #tpu.memory_space<hbm>>
      %dma_start3A_163 = arith.constant 0 : i32
      %dma_start3A_164 = tpu.memref_slice %arg4[%add3A_156, %dma_start3A_163] : memref<16384x2048xf32, #tpu.memory_space<hbm>> -> memref<1x2048xf32, #tpu.memory_space<hbm>>
      %dma_start3A_165 = tpu.memref_squeeze %dma_start3A_164 : memref<1x2048xf32, #tpu.memory_space<hbm>> -> memref<2048xf32, #tpu.memory_space<hbm>>
      %dma_start3A_166 = arith.constant 0 : i32
      %dma_start3A_167 = tpu.memref_slice %arg6[%squeeze3A_151, %dma_start3A_166] : memref<32x2048xf32, #tpu.memory_space<vmem>> -> memref<1x2048xf32, #tpu.memory_space<vmem>>
      %dma_start3A_168 = tpu.memref_squeeze %dma_start3A_167 : memref<1x2048xf32, #tpu.memory_space<vmem>> -> memref<2048xf32, #tpu.memory_space<vmem>>
      tpu.enqueue_dma source(%dma_start3A_168 : memref<2048xf32, #tpu.memory_space<vmem>>) target(%dma_start3A_165 : memref<2048xf32, #tpu.memory_space<hbm>>) target_semaphore(%arg8 : memref<!tpu.dma_semaphore, #tpu.memory_space<semaphore_mem>>)
      %slice3A_169 = vector.extract_strided_slice %get3A_18 {offsets = [8], sizes = [1], strides = [1]} : vector<16xi32> to vector<1xi32>
      %squeeze3A_170 = vector.extract %slice3A_169[0] : i32 from vector<1xi32>
      %mul3A_171 = arith.constant 16 : i32
      %mul3A_172 = arith.muli %scan3A_14, %mul3A_171 : i32
      %add3A_173 = arith.addi %mul3A_2, %mul3A_172 : i32
      %add3A_174 = arith.constant 8 : i32
      %add3A_175 = arith.addi %add3A_173, %add3A_174 : i32
      %dma_start3A_176 = arith.constant 0 : i32
      %dma_start3A_177 = tpu.memref_slice %arg6[%squeeze3A_170, %dma_start3A_176] : memref<32x2048xf32, #tpu.memory_space<vmem>> -> memref<1x2048xf32, #tpu.memory_space<vmem>>
      %dma_start3A_178 = tpu.memref_squeeze %dma_start3A_177 : memref<1x2048xf32, #tpu.memory_space<vmem>> -> memref<2048xf32, #tpu.memory_space<vmem>>
      %dma_start3A_179 = arith.constant 0 : i32
      %dma_start3A_180 = tpu.memref_slice %arg4[%add3A_175, %dma_start3A_179] : memref<16384x2048xf32, #tpu.memory_space<hbm>> -> memref<1x2048xf32, #tpu.memory_space<hbm>>
      %dma_start3A_181 = tpu.memref_squeeze %dma_start3A_180 : memref<1x2048xf32, #tpu.memory_space<hbm>> -> memref<2048xf32, #tpu.memory_space<hbm>>
      %dma_start3A_182 = arith.constant 0 : i32
      %dma_start3A_183 = tpu.memref_slice %arg4[%add3A_175, %dma_start3A_182] : memref<16384x2048xf32, #tpu.memory_space<hbm>> -> memref<1x2048xf32, #tpu.memory_space<hbm>>
      %dma_start3A_184 = tpu.memref_squeeze %dma_start3A_183 : memref<1x2048xf32, #tpu.memory_space<hbm>> -> memref<2048xf32, #tpu.memory_space<hbm>>
      %dma_start3A_185 = arith.constant 0 : i32
      %dma_start3A_186 = tpu.memref_slice %arg6[%squeeze3A_170, %dma_start3A_185] : memref<32x2048xf32, #tpu.memory_space<vmem>> -> memref<1x2048xf32, #tpu.memory_space<vmem>>
      %dma_start3A_187 = tpu.memref_squeeze %dma_start3A_186 : memref<1x2048xf32, #tpu.memory_space<vmem>> -> memref<2048xf32, #tpu.memory_space<vmem>>
      tpu.enqueue_dma source(%dma_start3A_187 : memref<2048xf32, #tpu.memory_space<vmem>>) target(%dma_start3A_184 : memref<2048xf32, #tpu.memory_space<hbm>>) target_semaphore(%arg8 : memref<!tpu.dma_semaphore, #tpu.memory_space<semaphore_mem>>)
      %slice3A_188 = vector.extract_strided_slice %get3A_18 {offsets = [9], sizes = [1], strides = [1]} : vector<16xi32> to vector<1xi32>
      %squeeze3A_189 = vector.extract %slice3A_188[0] : i32 from vector<1xi32>
      %mul3A_190 = arith.constant 16 : i32
      %mul3A_191 = arith.muli %scan3A_14, %mul3A_190 : i32
      %add3A_192 = arith.addi %mul3A_2, %mul3A_191 : i32
      %add3A_193 = arith.constant 9 : i32
      %add3A_194 = arith.addi %add3A_192, %add3A_193 : i32
      %dma_start3A_195 = arith.constant 0 : i32
      %dma_start3A_196 = tpu.memref_slice %arg6[%squeeze3A_189, %dma_start3A_195] : memref<32x2048xf32, #tpu.memory_space<vmem>> -> memref<1x2048xf32, #tpu.memory_space<vmem>>
      %dma_start3A_197 = tpu.memref_squeeze %dma_start3A_196 : memref<1x2048xf32, #tpu.memory_space<vmem>> -> memref<2048xf32, #tpu.memory_space<vmem>>
      %dma_start3A_198 = arith.constant 0 : i32
      %dma_start3A_199 = tpu.memref_slice %arg4[%add3A_194, %dma_start3A_198] : memref<16384x2048xf32, #tpu.memory_space<hbm>> -> memref<1x2048xf32, #tpu.memory_space<hbm>>
      %dma_start3A_200 = tpu.memref_squeeze %dma_start3A_199 : memref<1x2048xf32, #tpu.memory_space<hbm>> -> memref<2048xf32, #tpu.memory_space<hbm>>
      %dma_start3A_201 = arith.constant 0 : i32
      %dma_start3A_202 = tpu.memref_slice %arg4[%add3A_194, %dma_start3A_201] : memref<16384x2048xf32, #tpu.memory_space<hbm>> -> memref<1x2048xf32, #tpu.memory_space<hbm>>
      %dma_start3A_203 = tpu.memref_squeeze %dma_start3A_202 : memref<1x2048xf32, #tpu.memory_space<hbm>> -> memref<2048xf32, #tpu.memory_space<hbm>>
      %dma_start3A_204 = arith.constant 0 : i32
      %dma_start3A_205 = tpu.memref_slice %arg6[%squeeze3A_189, %dma_start3A_204] : memref<32x2048xf32, #tpu.memory_space<vmem>> -> memref<1x2048xf32, #tpu.memory_space<vmem>>
      %dma_start3A_206 = tpu.memref_squeeze %dma_start3A_205 : memref<1x2048xf32, #tpu.memory_space<vmem>> -> memref<2048xf32, #tpu.memory_space<vmem>>
      tpu.enqueue_dma source(%dma_start3A_206 : memref<2048xf32, #tpu.memory_space<vmem>>) target(%dma_start3A_203 : memref<2048xf32, #tpu.memory_space<hbm>>) target_semaphore(%arg8 : memref<!tpu.dma_semaphore, #tpu.memory_space<semaphore_mem>>)
      %slice3A_207 = vector.extract_strided_slice %get3A_18 {offsets = [10], sizes = [1], strides = [1]} : vector<16xi32> to vector<1xi32>
      %squeeze3A_208 = vector.extract %slice3A_207[0] : i32 from vector<1xi32>
      %mul3A_209 = arith.constant 16 : i32
      %mul3A_210 = arith.muli %scan3A_14, %mul3A_209 : i32
      %add3A_211 = arith.addi %mul3A_2, %mul3A_210 : i32
      %add3A_212 = arith.constant 10 : i32
      %add3A_213 = arith.addi %add3A_211, %add3A_212 : i32
      %dma_start3A_214 = arith.constant 0 : i32
      %dma_start3A_215 = tpu.memref_slice %arg6[%squeeze3A_208, %dma_start3A_214] : memref<32x2048xf32, #tpu.memory_space<vmem>> -> memref<1x2048xf32, #tpu.memory_space<vmem>>
      %dma_start3A_216 = tpu.memref_squeeze %dma_start3A_215 : memref<1x2048xf32, #tpu.memory_space<vmem>> -> memref<2048xf32, #tpu.memory_space<vmem>>
      %dma_start3A_217 = arith.constant 0 : i32
      %dma_start3A_218 = tpu.memref_slice %arg4[%add3A_213, %dma_start3A_217] : memref<16384x2048xf32, #tpu.memory_space<hbm>> -> memref<1x2048xf32, #tpu.memory_space<hbm>>
      %dma_start3A_219 = tpu.memref_squeeze %dma_start3A_218 : memref<1x2048xf32, #tpu.memory_space<hbm>> -> memref<2048xf32, #tpu.memory_space<hbm>>
      %dma_start3A_220 = arith.constant 0 : i32
      %dma_start3A_221 = tpu.memref_slice %arg4[%add3A_213, %dma_start3A_220] : memref<16384x2048xf32, #tpu.memory_space<hbm>> -> memref<1x2048xf32, #tpu.memory_space<hbm>>
      %dma_start3A_222 = tpu.memref_squeeze %dma_start3A_221 : memref<1x2048xf32, #tpu.memory_space<hbm>> -> memref<2048xf32, #tpu.memory_space<hbm>>
      %dma_start3A_223 = arith.constant 0 : i32
      %dma_start3A_224 = tpu.memref_slice %arg6[%squeeze3A_208, %dma_start3A_223] : memref<32x2048xf32, #tpu.memory_space<vmem>> -> memref<1x2048xf32, #tpu.memory_space<vmem>>
      %dma_start3A_225 = tpu.memref_squeeze %dma_start3A_224 : memref<1x2048xf32, #tpu.memory_space<vmem>> -> memref<2048xf32, #tpu.memory_space<vmem>>
      tpu.enqueue_dma source(%dma_start3A_225 : memref<2048xf32, #tpu.memory_space<vmem>>) target(%dma_start3A_222 : memref<2048xf32, #tpu.memory_space<hbm>>) target_semaphore(%arg8 : memref<!tpu.dma_semaphore, #tpu.memory_space<semaphore_mem>>)
      %slice3A_226 = vector.extract_strided_slice %get3A_18 {offsets = [11], sizes = [1], strides = [1]} : vector<16xi32> to vector<1xi32>
      %squeeze3A_227 = vector.extract %slice3A_226[0] : i32 from vector<1xi32>
      %mul3A_228 = arith.constant 16 : i32
      %mul3A_229 = arith.muli %scan3A_14, %mul3A_228 : i32
      %add3A_230 = arith.addi %mul3A_2, %mul3A_229 : i32
      %add3A_231 = arith.constant 11 : i32
      %add3A_232 = arith.addi %add3A_230, %add3A_231 : i32
      %dma_start3A_233 = arith.constant 0 : i32
      %dma_start3A_234 = tpu.memref_slice %arg6[%squeeze3A_227, %dma_start3A_233] : memref<32x2048xf32, #tpu.memory_space<vmem>> -> memref<1x2048xf32, #tpu.memory_space<vmem>>
      %dma_start3A_235 = tpu.memref_squeeze %dma_start3A_234 : memref<1x2048xf32, #tpu.memory_space<vmem>> -> memref<2048xf32, #tpu.memory_space<vmem>>
      %dma_start3A_236 = arith.constant 0 : i32
      %dma_start3A_237 = tpu.memref_slice %arg4[%add3A_232, %dma_start3A_236] : memref<16384x2048xf32, #tpu.memory_space<hbm>> -> memref<1x2048xf32, #tpu.memory_space<hbm>>
      %dma_start3A_238 = tpu.memref_squeeze %dma_start3A_237 : memref<1x2048xf32, #tpu.memory_space<hbm>> -> memref<2048xf32, #tpu.memory_space<hbm>>
      %dma_start3A_239 = arith.constant 0 : i32
      %dma_start3A_240 = tpu.memref_slice %arg4[%add3A_232, %dma_start3A_239] : memref<16384x2048xf32, #tpu.memory_space<hbm>> -> memref<1x2048xf32, #tpu.memory_space<hbm>>
      %dma_start3A_241 = tpu.memref_squeeze %dma_start3A_240 : memref<1x2048xf32, #tpu.memory_space<hbm>> -> memref<2048xf32, #tpu.memory_space<hbm>>
      %dma_start3A_242 = arith.constant 0 : i32
      %dma_start3A_243 = tpu.memref_slice %arg6[%squeeze3A_227, %dma_start3A_242] : memref<32x2048xf32, #tpu.memory_space<vmem>> -> memref<1x2048xf32, #tpu.memory_space<vmem>>
      %dma_start3A_244 = tpu.memref_squeeze %dma_start3A_243 : memref<1x2048xf32, #tpu.memory_space<vmem>> -> memref<2048xf32, #tpu.memory_space<vmem>>
      tpu.enqueue_dma source(%dma_start3A_244 : memref<2048xf32, #tpu.memory_space<vmem>>) target(%dma_start3A_241 : memref<2048xf32, #tpu.memory_space<hbm>>) target_semaphore(%arg8 : memref<!tpu.dma_semaphore, #tpu.memory_space<semaphore_mem>>)
      %slice3A_245 = vector.extract_strided_slice %get3A_18 {offsets = [12], sizes = [1], strides = [1]} : vector<16xi32> to vector<1xi32>
      %squeeze3A_246 = vector.extract %slice3A_245[0] : i32 from vector<1xi32>
      %mul3A_247 = arith.constant 16 : i32
      %mul3A_248 = arith.muli %scan3A_14, %mul3A_247 : i32
      %add3A_249 = arith.addi %mul3A_2, %mul3A_248 : i32
      %add3A_250 = arith.constant 12 : i32
      %add3A_251 = arith.addi %add3A_249, %add3A_250 : i32
      %dma_start3A_252 = arith.constant 0 : i32
      %dma_start3A_253 = tpu.memref_slice %arg6[%squeeze3A_246, %dma_start3A_252] : memref<32x2048xf32, #tpu.memory_space<vmem>> -> memref<1x2048xf32, #tpu.memory_space<vmem>>
      %dma_start3A_254 = tpu.memref_squeeze %dma_start3A_253 : memref<1x2048xf32, #tpu.memory_space<vmem>> -> memref<2048xf32, #tpu.memory_space<vmem>>
      %dma_start3A_255 = arith.constant 0 : i32
      %dma_start3A_256 = tpu.memref_slice %arg4[%add3A_251, %dma_start3A_255] : memref<16384x2048xf32, #tpu.memory_space<hbm>> -> memref<1x2048xf32, #tpu.memory_space<hbm>>
      %dma_start3A_257 = tpu.memref_squeeze %dma_start3A_256 : memref<1x2048xf32, #tpu.memory_space<hbm>> -> memref<2048xf32, #tpu.memory_space<hbm>>
      %dma_start3A_258 = arith.constant 0 : i32
      %dma_start3A_259 = tpu.memref_slice %arg4[%add3A_251, %dma_start3A_258] : memref<16384x2048xf32, #tpu.memory_space<hbm>> -> memref<1x2048xf32, #tpu.memory_space<hbm>>
      %dma_start3A_260 = tpu.memref_squeeze %dma_start3A_259 : memref<1x2048xf32, #tpu.memory_space<hbm>> -> memref<2048xf32, #tpu.memory_space<hbm>>
      %dma_start3A_261 = arith.constant 0 : i32
      %dma_start3A_262 = tpu.memref_slice %arg6[%squeeze3A_246, %dma_start3A_261] : memref<32x2048xf32, #tpu.memory_space<vmem>> -> memref<1x2048xf32, #tpu.memory_space<vmem>>
      %dma_start3A_263 = tpu.memref_squeeze %dma_start3A_262 : memref<1x2048xf32, #tpu.memory_space<vmem>> -> memref<2048xf32, #tpu.memory_space<vmem>>
      tpu.enqueue_dma source(%dma_start3A_263 : memref<2048xf32, #tpu.memory_space<vmem>>) target(%dma_start3A_260 : memref<2048xf32, #tpu.memory_space<hbm>>) target_semaphore(%arg8 : memref<!tpu.dma_semaphore, #tpu.memory_space<semaphore_mem>>)
      %slice3A_264 = vector.extract_strided_slice %get3A_18 {offsets = [13], sizes = [1], strides = [1]} : vector<16xi32> to vector<1xi32>
      %squeeze3A_265 = vector.extract %slice3A_264[0] : i32 from vector<1xi32>
      %mul3A_266 = arith.constant 16 : i32
      %mul3A_267 = arith.muli %scan3A_14, %mul3A_266 : i32
      %add3A_268 = arith.addi %mul3A_2, %mul3A_267 : i32
      %add3A_269 = arith.constant 13 : i32
      %add3A_270 = arith.addi %add3A_268, %add3A_269 : i32
      %dma_start3A_271 = arith.constant 0 : i32
      %dma_start3A_272 = tpu.memref_slice %arg6[%squeeze3A_265, %dma_start3A_271] : memref<32x2048xf32, #tpu.memory_space<vmem>> -> memref<1x2048xf32, #tpu.memory_space<vmem>>
      %dma_start3A_273 = tpu.memref_squeeze %dma_start3A_272 : memref<1x2048xf32, #tpu.memory_space<vmem>> -> memref<2048xf32, #tpu.memory_space<vmem>>
      %dma_start3A_274 = arith.constant 0 : i32
      %dma_start3A_275 = tpu.memref_slice %arg4[%add3A_270, %dma_start3A_274] : memref<16384x2048xf32, #tpu.memory_space<hbm>> -> memref<1x2048xf32, #tpu.memory_space<hbm>>
      %dma_start3A_276 = tpu.memref_squeeze %dma_start3A_275 : memref<1x2048xf32, #tpu.memory_space<hbm>> -> memref<2048xf32, #tpu.memory_space<hbm>>
      %dma_start3A_277 = arith.constant 0 : i32
      %dma_start3A_278 = tpu.memref_slice %arg4[%add3A_270, %dma_start3A_277] : memref<16384x2048xf32, #tpu.memory_space<hbm>> -> memref<1x2048xf32, #tpu.memory_space<hbm>>
      %dma_start3A_279 = tpu.memref_squeeze %dma_start3A_278 : memref<1x2048xf32, #tpu.memory_space<hbm>> -> memref<2048xf32, #tpu.memory_space<hbm>>
      %dma_start3A_280 = arith.constant 0 : i32
      %dma_start3A_281 = tpu.memref_slice %arg6[%squeeze3A_265, %dma_start3A_280] : memref<32x2048xf32, #tpu.memory_space<vmem>> -> memref<1x2048xf32, #tpu.memory_space<vmem>>
      %dma_start3A_282 = tpu.memref_squeeze %dma_start3A_281 : memref<1x2048xf32, #tpu.memory_space<vmem>> -> memref<2048xf32, #tpu.memory_space<vmem>>
      tpu.enqueue_dma source(%dma_start3A_282 : memref<2048xf32, #tpu.memory_space<vmem>>) target(%dma_start3A_279 : memref<2048xf32, #tpu.memory_space<hbm>>) target_semaphore(%arg8 : memref<!tpu.dma_semaphore, #tpu.memory_space<semaphore_mem>>)
      %slice3A_283 = vector.extract_strided_slice %get3A_18 {offsets = [14], sizes = [1], strides = [1]} : vector<16xi32> to vector<1xi32>
      %squeeze3A_284 = vector.extract %slice3A_283[0] : i32 from vector<1xi32>
      %mul3A_285 = arith.constant 16 : i32
      %mul3A_286 = arith.muli %scan3A_14, %mul3A_285 : i32
      %add3A_287 = arith.addi %mul3A_2, %mul3A_286 : i32
      %add3A_288 = arith.constant 14 : i32
      %add3A_289 = arith.addi %add3A_287, %add3A_288 : i32
      %dma_start3A_290 = arith.constant 0 : i32
      %dma_start3A_291 = tpu.memref_slice %arg6[%squeeze3A_284, %dma_start3A_290] : memref<32x2048xf32, #tpu.memory_space<vmem>> -> memref<1x2048xf32, #tpu.memory_space<vmem>>
      %dma_start3A_292 = tpu.memref_squeeze %dma_start3A_291 : memref<1x2048xf32, #tpu.memory_space<vmem>> -> memref<2048xf32, #tpu.memory_space<vmem>>
      %dma_start3A_293 = arith.constant 0 : i32
      %dma_start3A_294 = tpu.memref_slice %arg4[%add3A_289, %dma_start3A_293] : memref<16384x2048xf32, #tpu.memory_space<hbm>> -> memref<1x2048xf32, #tpu.memory_space<hbm>>
      %dma_start3A_295 = tpu.memref_squeeze %dma_start3A_294 : memref<1x2048xf32, #tpu.memory_space<hbm>> -> memref<2048xf32, #tpu.memory_space<hbm>>
      %dma_start3A_296 = arith.constant 0 : i32
      %dma_start3A_297 = tpu.memref_slice %arg4[%add3A_289, %dma_start3A_296] : memref<16384x2048xf32, #tpu.memory_space<hbm>> -> memref<1x2048xf32, #tpu.memory_space<hbm>>
      %dma_start3A_298 = tpu.memref_squeeze %dma_start3A_297 : memref<1x2048xf32, #tpu.memory_space<hbm>> -> memref<2048xf32, #tpu.memory_space<hbm>>
      %dma_start3A_299 = arith.constant 0 : i32
      %dma_start3A_300 = tpu.memref_slice %arg6[%squeeze3A_284, %dma_start3A_299] : memref<32x2048xf32, #tpu.memory_space<vmem>> -> memref<1x2048xf32, #tpu.memory_space<vmem>>
      %dma_start3A_301 = tpu.memref_squeeze %dma_start3A_300 : memref<1x2048xf32, #tpu.memory_space<vmem>> -> memref<2048xf32, #tpu.memory_space<vmem>>
      tpu.enqueue_dma source(%dma_start3A_301 : memref<2048xf32, #tpu.memory_space<vmem>>) target(%dma_start3A_298 : memref<2048xf32, #tpu.memory_space<hbm>>) target_semaphore(%arg8 : memref<!tpu.dma_semaphore, #tpu.memory_space<semaphore_mem>>)
      %slice3A_302 = vector.extract_strided_slice %get3A_18 {offsets = [15], sizes = [1], strides = [1]} : vector<16xi32> to vector<1xi32>
      %squeeze3A_303 = vector.extract %slice3A_302[0] : i32 from vector<1xi32>
      %mul3A_304 = arith.constant 16 : i32
      %mul3A_305 = arith.muli %scan3A_14, %mul3A_304 : i32
      %add3A_306 = arith.addi %mul3A_2, %mul3A_305 : i32
      %add3A_307 = arith.constant 15 : i32
      %add3A_308 = arith.addi %add3A_306, %add3A_307 : i32
      %dma_start3A_309 = arith.constant 0 : i32
      %dma_start3A_310 = tpu.memref_slice %arg6[%squeeze3A_303, %dma_start3A_309] : memref<32x2048xf32, #tpu.memory_space<vmem>> -> memref<1x2048xf32, #tpu.memory_space<vmem>>
      %dma_start3A_311 = tpu.memref_squeeze %dma_start3A_310 : memref<1x2048xf32, #tpu.memory_space<vmem>> -> memref<2048xf32, #tpu.memory_space<vmem>>
      %dma_start3A_312 = arith.constant 0 : i32
      %dma_start3A_313 = tpu.memref_slice %arg4[%add3A_308, %dma_start3A_312] : memref<16384x2048xf32, #tpu.memory_space<hbm>> -> memref<1x2048xf32, #tpu.memory_space<hbm>>
      %dma_start3A_314 = tpu.memref_squeeze %dma_start3A_313 : memref<1x2048xf32, #tpu.memory_space<hbm>> -> memref<2048xf32, #tpu.memory_space<hbm>>
      %dma_start3A_315 = arith.constant 0 : i32
      %dma_start3A_316 = tpu.memref_slice %arg4[%add3A_308, %dma_start3A_315] : memref<16384x2048xf32, #tpu.memory_space<hbm>> -> memref<1x2048xf32, #tpu.memory_space<hbm>>
      %dma_start3A_317 = tpu.memref_squeeze %dma_start3A_316 : memref<1x2048xf32, #tpu.memory_space<hbm>> -> memref<2048xf32, #tpu.memory_space<hbm>>
      %dma_start3A_318 = arith.constant 0 : i32
      %dma_start3A_319 = tpu.memref_slice %arg6[%squeeze3A_303, %dma_start3A_318] : memref<32x2048xf32, #tpu.memory_space<vmem>> -> memref<1x2048xf32, #tpu.memory_space<vmem>>
      %dma_start3A_320 = tpu.memref_squeeze %dma_start3A_319 : memref<1x2048xf32, #tpu.memory_space<vmem>> -> memref<2048xf32, #tpu.memory_space<vmem>>
      tpu.enqueue_dma source(%dma_start3A_320 : memref<2048xf32, #tpu.memory_space<vmem>>) target(%dma_start3A_317 : memref<2048xf32, #tpu.memory_space<hbm>>) target_semaphore(%arg8 : memref<!tpu.dma_semaphore, #tpu.memory_space<semaphore_mem>>)
      %mul3A_321 = arith.constant 16 : i32
      %mul3A_322 = arith.muli %scan3A_14, %mul3A_321 : i32
      %add3A_323 = arith.addi %mul3A_2, %mul3A_322 : i32
      %dma_wait3A_324 = arith.constant 0 : i32
      %dma_wait3A_325 = arith.constant 0 : i32
      %dma_wait3A_326 = tpu.memref_slice %arg6[%dma_wait3A_324, %dma_wait3A_325] : memref<32x2048xf32, #tpu.memory_space<vmem>> -> memref<16x2048xf32, #tpu.memory_space<vmem>>
      %dma_wait3A_327 = arith.constant 0 : i32
      %dma_wait3A_328 = tpu.memref_slice %arg4[%add3A_323, %dma_wait3A_327] : memref<16384x2048xf32, #tpu.memory_space<hbm>> -> memref<16x2048xf32, #tpu.memory_space<hbm>>
      %dma_wait3A_329 = arith.constant 0 : i32
      %dma_wait3A_330 = tpu.memref_slice %arg4[%add3A_323, %dma_wait3A_329] : memref<16384x2048xf32, #tpu.memory_space<hbm>> -> memref<16x2048xf32, #tpu.memory_space<hbm>>
      %dma_wait3A_331 = arith.constant 0 : i32
      %dma_wait3A_332 = arith.constant 0 : i32
      %dma_wait3A_333 = tpu.memref_slice %arg6[%dma_wait3A_331, %dma_wait3A_332] : memref<32x2048xf32, #tpu.memory_space<vmem>> -> memref<16x2048xf32, #tpu.memory_space<vmem>>
      tpu.wait_dma2 semaphore(%arg8 : memref<!tpu.dma_semaphore, #tpu.memory_space<semaphore_mem>>) src(%dma_wait3A_333 : memref<16x2048xf32, #tpu.memory_space<vmem>>) dst(%dma_wait3A_330 : memref<16x2048xf32, #tpu.memory_space<hbm>>)
    }
    %scan3A_13 = arith.constant 32 : i32
    return
  }
}

module attributes {stable_mosaic.version = 14 : i64} {
  func.func @_mlp_body(%arg0: i32, %arg1: memref<22x512xf32, #tpu.memory_space<vmem>>, %arg2: memref<512x2048xf32, #tpu.memory_space<vmem>>, %arg3: memref<1x2048xf32, #tpu.memory_space<vmem>>, %arg4: memref<2048x512xf32, #tpu.memory_space<vmem>>, %arg5: memref<1x512xf32, #tpu.memory_space<vmem>>, %arg6: memref<32x512xf32, #tpu.memory_space<vmem>>, %arg7: memref<32x2048xf32, #tpu.memory_space<vmem>>) attributes {dimension_semantics = [#tpu.dimension_semantics<arbitrary>], iteration_bounds = array<i64: 4>, scalar_prefetch = 0 : i64, scratch_operands = 1 : i64, tpu.core_type = #tpu.core_type<tc>, window_params = [{pipeline_mode = #tpu.pipeline_mode<synchronous>, transform_indices = @transform_0, window_bounds = array<i64: 22, 512>}, {pipeline_mode = #tpu.pipeline_mode<synchronous>, transform_indices = @transform_1, window_bounds = array<i64: 512, 2048>}, {pipeline_mode = #tpu.pipeline_mode<synchronous>, transform_indices = @transform_2, window_bounds = array<i64: 1, 2048>}, {transform_indices = @transform_3, window_bounds = array<i64: 2048, 512>}, {transform_indices = @transform_4, window_bounds = array<i64: 1, 512>}, {transform_indices = @transform_5, window_bounds = array<i64: 32, 512>}]} {
    %eq3A = arith.constant 0 : i32
    %eq3A_0 = arith.cmpi eq, %arg0, %eq3A : i32
    %convert_element_type3A = arith.extui %eq3A_0 : i1 to i32
    %cond3A = arith.constant 0 : i32
    %cond3A_1 = arith.cmpi ne, %convert_element_type3A, %cond3A : i32
    scf.if %cond3A_1 {
      %get3A_14 = arith.constant 0 : index
      %get3A_15 = arith.constant 0 : index
      %get3A_16 = vector.load %arg1[%get3A_14, %get3A_15] : memref<22x512xf32, #tpu.memory_space<vmem>>, vector<22x512xf32>
      %broadcast_in_dim3A = arith.constant 0.000000e+00 : f32
      %broadcast_in_dim3A_17 = vector.broadcast %broadcast_in_dim3A : f32 to vector<10x512xf32>
      %concatenate3A = tpu.concatenate %get3A_16, %broadcast_in_dim3A_17 in 0 : vector<22x512xf32>, vector<10x512xf32> -> vector<32x512xf32>
      %get3A_18 = arith.constant 0 : index
      %get3A_19 = arith.constant 0 : index
      %get3A_20 = vector.load %arg2[%get3A_18, %get3A_19] : memref<512x2048xf32, #tpu.memory_space<vmem>>, vector<512x2048xf32>
      %dot_general3A_21 = arith.constant dense<0.000000e+00> : vector<32x2048xf32>
      %dot_general3A_22 = tpu.matmul %concatenate3A, %get3A_20, %dot_general3A_21 {dimension_numbers = #tpu.dot_dimension_numbers<[1], [0], [0], [1], [0, 0, 1, 1], [], []>, transpose_lhs_hint = false} : vector<32x512xf32>, vector<512x2048xf32>, vector<32x2048xf32> -> vector<32x2048xf32>
      %get3A_23 = arith.constant 0 : index
      %get3A_24 = arith.constant 0 : index
      %get3A_25 = vector.load %arg3[%get3A_23, %get3A_24] : memref<1x2048xf32, #tpu.memory_space<vmem>>, vector<1x2048xf32>
      %add3A_26 = vector.broadcast %get3A_25 : vector<1x2048xf32> to vector<32x2048xf32>
      %add3A_27 = arith.addf %dot_general3A_22, %add3A_26 : vector<32x2048xf32>
      %mul3A = arith.constant 5.000000e-01 : f32
      %mul3A_28 = vector.broadcast %mul3A : f32 to vector<32x2048xf32>
      %mul3A_29 = arith.mulf %mul3A_28, %add3A_27 : vector<32x2048xf32>
      %mul3A_30 = arith.constant 0.707106769 : f32
      %mul3A_31 = vector.broadcast %mul3A_30 : f32 to vector<32x2048xf32>
      %mul3A_32 = arith.mulf %add3A_27, %mul3A_31 : vector<32x2048xf32>
      %erf3A = math.erf %mul3A_32 : vector<32x2048xf32>
      %add3A_33 = arith.constant 1.000000e+00 : f32
      %add3A_34 = vector.broadcast %add3A_33 : f32 to vector<32x2048xf32>
      %add3A_35 = arith.addf %add3A_34, %erf3A : vector<32x2048xf32>
      %mul3A_36 = arith.mulf %mul3A_29, %add3A_35 : vector<32x2048xf32>
      %swap3A_37 = arith.constant 0 : index
      %swap3A_38 = arith.constant 0 : index
      %swap3A_39 = vector.load %arg7[%swap3A_37, %swap3A_38] : memref<32x2048xf32, #tpu.memory_space<vmem>>, vector<32x2048xf32>
      tpu.vector_store %arg7[%swap3A_37, %swap3A_38], %mul3A_36 {strides = array<i32>} : memref<32x2048xf32, #tpu.memory_space<vmem>>, vector<32x2048xf32>,
    } else {
    }
    %get3A = arith.constant 0 : index
    %get3A_2 = arith.constant 0 : index
    %get3A_3 = vector.load %arg7[%get3A, %get3A_2] : memref<32x2048xf32, #tpu.memory_space<vmem>>, vector<32x2048xf32>
    %get3A_4 = arith.constant 0 : index
    %get3A_5 = arith.constant 0 : index
    %get3A_6 = vector.load %arg4[%get3A_4, %get3A_5] : memref<2048x512xf32, #tpu.memory_space<vmem>>, vector<2048x512xf32>
    %dot_general3A = arith.constant dense<0.000000e+00> : vector<32x512xf32>
    %dot_general3A_7 = tpu.matmul %get3A_3, %get3A_6, %dot_general3A {dimension_numbers = #tpu.dot_dimension_numbers<[1], [0], [0], [1], [0, 0, 1, 1], [], []>, transpose_lhs_hint = false} : vector<32x2048xf32>, vector<2048x512xf32>, vector<32x512xf32> -> vector<32x512xf32>
    %get3A_8 = arith.constant 0 : index
    %get3A_9 = arith.constant 0 : index
    %get3A_10 = vector.load %arg5[%get3A_8, %get3A_9] : memref<1x512xf32, #tpu.memory_space<vmem>>, vector<1x512xf32>
    %add3A = vector.broadcast %get3A_10 : vector<1x512xf32> to vector<32x512xf32>
    %add3A_11 = arith.addf %dot_general3A_7, %add3A : vector<32x512xf32>
    %swap3A = arith.constant 0 : index
    %swap3A_12 = arith.constant 0 : index
    %swap3A_13 = vector.load %arg6[%swap3A, %swap3A_12] : memref<32x512xf32, #tpu.memory_space<vmem>>, vector<32x512xf32>
    tpu.vector_store %arg6[%swap3A, %swap3A_12], %add3A_11 {strides = array<i32>} : memref<32x512xf32, #tpu.memory_space<vmem>>, vector<32x512xf32>,
    return
  }
  func.func @transform_0(%arg0: i32) -> (i32, i32) {
    %c0_i32 = arith.constant 0 : i32
    %c0_i32_0 = arith.constant 0 : i32
    %c0_i32_1 = arith.constant 0 : i32
    return %c0_i32, %c0_i32_0 : i32, i32
  }
  func.func @transform_1(%arg0: i32) -> (i32, i32) {
    %c0_i32 = arith.constant 0 : i32
    %c0_i32_0 = arith.constant 0 : i32
    %c0_i32_1 = arith.constant 0 : i32
    return %c0_i32, %c0_i32_0 : i32, i32
  }
  func.func @transform_2(%arg0: i32) -> (i32, i32) {
    %c0_i32 = arith.constant 0 : i32
    %c0_i32_0 = arith.constant 0 : i32
    %c0_i32_1 = arith.constant 0 : i32
    return %c0_i32, %c0_i32_0 : i32, i32
  }
  func.func @transform_3(%arg0: i32) -> (i32, i32) {
    %c0_i32 = arith.constant 0 : i32
    %c0_i32_0 = arith.constant 0 : i32
    return %c0_i32, %arg0 : i32, i32
  }
  func.func @transform_4(%arg0: i32) -> (i32, i32) {
    %c0_i32 = arith.constant 0 : i32
    %c0_i32_0 = arith.constant 0 : i32
    return %c0_i32, %arg0 : i32, i32
  }
  func.func @transform_5(%arg0: i32) -> (i32, i32) {
    %c0_i32 = arith.constant 0 : i32
    %c0_i32_0 = arith.constant 0 : i32
    return %c0_i32, %arg0 : i32, i32
  }
}

</mosaic_0001>

<sc_bundles>
// kernel: kernel.4.cloned.1.call-start
scs
__scs_entry_jumppad:
0x0: {  	(pc) =	sbr.rel $0x88, $3  }
0x1: {  	(tag) =	ssettag $0x0;
	lr =	simm.s32 $0x1  }
0x2: {  	[smem:$0x3F9B] =	sst lr;
	_ =	strace $0xD0000000  }
0x3: {  	_ = 	snop  }
0x4: {  	_ = 	snop  }
0x5: {  	_ = 	snop  }
0x6: {  	_ = 	snop  }
0x7: {  	_ = 	snop  }
__scs_overlays_trampoline_lowered:
0x8: {  	[smem:$0x3FAA] =	sst s0  }
0x9: {  	[smem:$0x3FAB] =	sst s1  }
0xa: {  	[smem:$0x3FAC] =	sst s2  }
0xb: {  	[smem:$0x3FAD] =	sst s3  }
0xc: {  	[smem:$0x3FAE] =	sst s4  }
0xd: {  	[smem:$0x3FAF] =	sst s5  }
0xe: {  	[smem:$0x3FB0] =	sst s6  }
0xf: {  	[smem:$0x3FB1] =	sst s7  }
0x10: {  	[smem:$0x3FB2] =	sst s8  }
0x11: {  	[smem:$0x3FB3] =	sst s9;
	s0 =	simm.s32 @!p0 $0x0  }
0x12: {  	s1 =	sld [smem:$0x3F99];
	s0 =	simm.s32 @p0 $0x1  }
0x13: {  	[smem:$0x3FB4] =	sst s0;
	s0 =	simm.s32 @!p1 $0x0  }
0x14: {  	s2 =	sld [smem:$0x3F98];
	s0 =	simm.s32 @p1 $0x1  }
0x15: {  	[smem:$0x3FB5] =	sst s0;
	s0 =	simm.s32 @!p2 $0x0  }
0x16: {  	s3 =	sld [smem:$0x3FDB];
	s0 =	simm.s32 @p2 $0x1  }
0x17: {  	s4 =	simm.s32 $0x1BF5;
	[smem:$0x3FB7] =	sst s0  }
0x18: {  	s0 =	sld [smem:$0x3F9A];
	_ =	swait.ge [sflag:s4], $0x0  }
0x19: {  	s7 =	sld [smem:$0x3F9B]  }
0x1a: {  	s8 =	sadd.s32 $0xFFFFE003, lr  }
0x1b: {  	s9 =	sadd.s32 $0xFFFFFEF7, lr;
	s5 =	simm.s32 $0xFFFFFFFF;
	p2 =	slt.u32 s8, $0xFFFFF086  }
0x1c: {  	p1 =	slt.u32 s9, $0xF7A;
	s5 =	simm.s32 @!p2 $0x0  }
0x1d: {  	s5 =	simm.s32 @p1 $0x1;
	p0 =	seq.s32 s7, s2  }
0x1e: {  	s7 =	smul.u32 @!p0 $0xF7A, s2;
	p2 =	seq.s32 @!p0 s5, $0x0  }
0x1f: {  	s9 =	smul.u32 $0xF7A, s1;
	s8 =	simm.s32 @!p0 $0x1BF5;
	p2 =	por !p2, p0  }
0x20: {  	[sflag:s8] =	ssyncset.s32 @!p0 $0xFFFFF086;
	s6 =	sadd.s32 @!p0 s3, s7;
	s7 =	simm.s32 @!p0 $0x108  }
0x21: {  	s3 =	sadd.s32 s3, s9;
	s6 =	sadd.s32 @!p0 $0x88, s6;
	s7 =	simm.s32 @p2 $0x1082  }
0x22: {  	[simem:s7], [sflag:s8] =	dma.local @!p0 [hbm:s6], $0xF7A  }
0x23: {  	s9 =	sor.u32 $0xD0000000, s2;
	s6 =	simm.s32 $0x108;
	_ =	swait.ge @!p0 [sflag:s8], $0x0  }
0x24: {  	s3 =	sadd.s32 $0x88, s3;
	s6 =	simm.s32 @!p1 $0x1082;
	[sflag:s4] =	ssyncset.s32 $0xFFFFF086  }
0x25: {  	[simem:s6], [sflag:s4] =	dma.local [hbm:s3], $0xF7A  }
0x26: {  	[smem:$0x3F9B] =	sst s1;
	(tag) =	ssettag s2;
	_ =	strace s9  }
0x27: {  	s1 =	sld [smem:$0x3FAB]  }
0x28: {  	s2 =	sld [smem:$0x3FAC]  }
0x29: {  	s4 =	sld [smem:$0x3FAE]  }
0x2a: {  	p0 =	seq.s32 s5, $0x0;
	s5 =	sld [smem:$0x3FAF]  }
0x2b: {  	s6 =	sld [smem:$0x3FB0]  }
0x2c: {  	s7 =	sld [smem:$0x3FB1]  }
0x2d: {  	s3 =	simm.s32 $0x108;
	s8 =	sld [smem:$0x3FB2]  }
0x2e: {  	s3 =	simm.s32 @!p0 $0x1082;
	s9 =	sld [smem:$0x3FB3]  }
0x2f: {  	lr =	sadd.s32 s0, s3;
	s0 =	sld [smem:$0x3FAA]  }
0x30: {  	s3 =	sld [smem:$0x3FAD]  }
0x31: {  	[smem:$0x3FB6] =	sst s10  }
0x32: {  	s10 =	sld [smem:$0x3FB4];
	_ =	sdelay $0x3  }
0x33: {  	p0 =	seq.s32 s10, $0x1;
	s10 =	sld [smem:$0x3FB6];
	_ =	sdelay $0x3  }
0x34: {  	[smem:$0x3FB6] =	sst s10  }
0x35: {  	s10 =	sld [smem:$0x3FB5];
	_ =	sdelay $0x3  }
0x36: {  	p1 =	seq.s32 s10, $0x1;
	s10 =	sld [smem:$0x3FB6];
	_ =	sdelay $0x3  }
0x37: {  	[smem:$0x3FB6] =	sst s10  }
0x38: {  	s10 =	sld [smem:$0x3FB7]  }
0x39: {  	_ = 	snop;
	(pc) =	sbr.ind lr, $3  }
0x3a: {  	_ = 	snop  }
0x3b: {  	_ = 	snop  }
0x3c: {  	p2 =	seq.s32 s10, $0x1;
	s10 =	sld [smem:$0x3FB6]  }
0x3d: {  	_ =	shalt  }
0x3e: {  	_ =	shalt  }
0x3f: {  	_ =	shalt  }
0x40: {  	_ =	shalt  }
0x41: {  	_ =	shalt  }
0x42: {  	_ =	shalt  }
0x43: {  	_ =	shalt  }
0x44: {  	_ =	shalt  }
0x45: {  	_ =	shalt  }
0x46: {  	_ =	shalt  }
0x47: {  	_ =	shalt  }
0x48: {  	_ =	shalt  }
0x49: {  	_ =	shalt  }
0x4a: {  	_ =	shalt  }
0x4b: {  	_ =	shalt  }
0x4c: {  	_ =	shalt  }
0x4d: {  	_ =	shalt  }
0x4e: {  	_ =	shalt  }
0x4f: {  	_ =	shalt  }
0x50: {  	_ =	shalt  }
0x51: {  	_ =	shalt  }
0x52: {  	_ =	shalt  }
0x53: {  	_ =	shalt  }
0x54: {  	_ =	shalt  }
0x55: {  	_ =	shalt  }
0x56: {  	_ =	shalt  }
0x57: {  	_ =	shalt  }
0x58: {  	_ =	shalt  }
0x59: {  	_ =	shalt  }
0x5a: {  	_ =	shalt  }
0x5b: {  	_ =	shalt  }
0x5c: {  	_ =	shalt  }
0x5d: {  	_ =	shalt  }
0x5e: {  	_ =	shalt  }
0x5f: {  	_ =	shalt  }
0x60: {  	_ =	shalt  }
0x61: {  	_ =	shalt  }
0x62: {  	_ =	shalt  }
0x63: {  	_ =	shalt  }
0x64: {  	_ =	shalt  }
0x65: {  	_ =	shalt  }
0x66: {  	_ =	shalt  }
0x67: {  	_ =	shalt  }
0x68: {  	_ =	shalt  }
0x69: {  	_ =	shalt  }
0x6a: {  	_ =	shalt  }
0x6b: {  	_ =	shalt  }
0x6c: {  	_ =	shalt  }
0x6d: {  	_ =	shalt  }
0x6e: {  	_ =	shalt  }
0x6f: {  	_ =	shalt  }
0x70: {  	_ =	shalt  }
0x71: {  	_ =	shalt  }
0x72: {  	_ =	shalt  }
0x73: {  	_ =	shalt  }
0x74: {  	_ =	shalt  }
0x75: {  	_ =	shalt  }
0x76: {  	_ =	shalt  }
0x77: {  	_ =	shalt  }
0x78: {  	_ =	shalt  }
0x79: {  	_ =	shalt  }
0x7a: {  	_ =	shalt  }
0x7b: {  	_ =	shalt  }
0x7c: {  	_ =	shalt  }
0x7d: {  	_ =	shalt  }
0x7e: {  	_ =	shalt  }
0x7f: {  	_ =	shalt  }
0x80: {  	_ =	shalt  }
0x81: {  	_ =	shalt  }
0x82: {  	_ =	shalt  }
0x83: {  	_ =	shalt  }
0x84: {  	_ =	shalt  }
0x85: {  	_ =	shalt  }
0x86: {  	_ =	shalt  }
0x87: {  	_ =	shalt  }
.Lfunc_end0:
.L_simem_size_0:
called_computation_lowered:
.L_overlay_start_0:
0x88: {  	s2 =	sld [smem:$0x3FD9]  }
0x89: {  	s3 =	sld [smem:$0x3FFE];
	_ =	sdelay $0x1  }
0x8a: {  	s1 =	srdreg.scid  }
0x8b: {  	s0 =	sand.u32 $0x1, s1  }
0x8c: {  	s17 =	sshll.u32 s0, $0xA;
	s2 =	sadd.s32 s3, s2  }
0x8d: {  	s2 =	sadd.s32 s2, s17  }
0x8e: {  	[smem:$0x3FC2] =	sst s2  }
0x8f: {  	_ = 	snop  }
0x90: {  	s2 =	sld [smem:$0x3FC9]  }
0x91: {  	s18 =	sld [smem:$0x3FD0];
	(tm) =	ssettm $0x1  }
0x92: {  	s4 =	sld [smem:$0x3FFB];
	_ =	sdelay $0x3  }
0x93: {  	_ =	strace s4  }
0x94: {  	s4 =	sld [smem:$0x3FFC];
	_ =	sdelay $0x3  }
0x95: {  	_ =	strace s4  }
0x96: {  	s4 =	sld [smem:$0x3FFD];
	_ =	sdelay $0x3  }
0x97: {  	_ =	strace s4  }
0x98: {  	_ =	strace $0x8FFFFFFF  }
0x99: {  	s19 =	sld [smem:$0x3FDB];
	_ =	sdelay $0x1  }
0x9a: {  	s5 =	simm.s32 $_scs_section_size  }
0x9b: {  	s6 =	simm.s32 $_size__tile_overlayer_lowered;
	s7 =	simm.s32 $_tile_overlayer_lowered  }
0x9c: {  	s22 =	simm.s32 $0x1BFF;
	s21 =	sshll.u32 s7, $0x1;
	s4 =	sadd.s32 s5, s19  }
0x9d: {  	s8 =	simm.s32 $0x0;
	s20 =	sshll.u32 s6, $0x1;
	s6 =	sadd.s32 s21, s4  }
0x9e: {  	[timem:s8], [sflag:s22] =	dma.local [hbm:s6], s20  }
0x9f: {  	_ =	swait.ge [sflag:s22], s20  }
0xa0: {  	s5 =	ssub.s32 $0x0, s20;
	[sflag:s22] =	ssyncset.done $0x0  }
0xa1: {  	[sflag:s22] =	ssyncadd.s32 s5;
	_ =	sdelay $0x1  }
0xa2: {  	s23 =	simm.s32 $0x1B8B  }
0xa3: {  	_ =	swait.ge [sflag:s23], $0x1  }
0xa4: {  	[sflag:s23] =	ssyncset.done $0x0  }
0xa5: {  	s25 =	simm.s32 $0x1B8E;
	s24 =	sld [smem:$0x3FFE];
	[sflag:s23] =	ssyncadd.s32 $0xFFFFFFFF  }
0xa6: {  	s26 =	simm.s32 $execute0_lowered;
	[smem:$0x3FD2] =	sst s25  }
0xa7: {  	s6 =	sshll.u32 s26, $0x1;
	_ =	strace $0x80000046;
	[dreg:$0x1] =	wrdreg $0xFFFFFFFF  }
0xa8: {  	s28 =	simm.s32 $_size_execute0_lowered;
	s4 =	sadd.s32 s4, s6;
	[dreg:$0x0] =	wrdreg $0x0  }
0xa9: {  	s6 =	sshll.u32 s28, $0x1;
	[dreg:$0x2] =	wrdreg s4  }
0xaa: {  	[dreg:$0x3] =	wrdreg s6  }
0xab: {  	[dreg:$0x4] =	wrdreg $0xC0  }
0xac: {  	_ =	task [dreg:s8], $0x5FFFF  }
0xad: {  	[dreg:$0x1] =	wrdreg $0xFFFFFFFF  }
0xae: {  	[dreg:$0x0] =	wrdreg $0x60  }
0xaf: {  	[dreg:$0x2] =	wrdreg s2  }
0xb0: {  	[dreg:$0x3] =	wrdreg s24  }
0xb1: {  	[dreg:$0x4] =	wrdreg s18  }
0xb2: {  	[dreg:$0x5] =	wrdreg $0x102000  }
0xb3: {  	[dreg:$0x6] =	wrdreg $0x9  }
0xb4: {  	_ =	task.clear_ibuf [dreg:s8], $0x7FFFF;
	_ =	strace $0x90000046  }
0xb5: {  	s29 =	simm.s32 $0x9;
	_ =	strace $0x80000048  }
0xb6: {  	_ =	swait.ge [sflag:s29], $0x1  }
0xb7: {  	[sflag:s29] =	ssyncadd.s32 $0xFFFFFFFF  }
0xb8: {  	_ =	strace $0x90000048  }
0xb9: {  	_ =	sfence  }
0xba: {  	s30 =	sld [smem:$0x0];
	_ =	sdelay $0x2  }
0xbb: {  	s31 =	sshll.u32 s1, $0xD;
	s1 =	sshrl.u32 s1, $0x2  }
0xbc: {  	s3 =	sand.u32 $0x4000, s31;
	s1 =	sadd.s32 s1, s30  }
0xbd: {  	s0 =	sor.u32 s3, s0;
	s1 =	sshll.u32 s1, $0x11  }
0xbe: {  	s0 =	sor.u32 s1, s0  }
0xbf: {  	s0 =	sadd.s32 $0x8F2B, s0  }
0xc0: {  	[sflag:s0] =	ssyncadd.remote.s32 $0x1  }
0xc1: {  	_ =	sfence.sel $0xFFFF  }
0xc2: {  	[dreg:$0x0] =	wrdreg $0xFFFFFFFF;
	(pc) =	sbr.abs _section_cstart, $3  }
0xc3: {  	[dreg:$0x1] =	wrdreg $0xFFFFFFFF  }
0xc4: {  	_ =	task.clear_ibuf [dreg:s8], $0x2FFFF;
	_ =	strace $0x9FFFFFFF  }
0xc5: {  	(tm) =	ssettm $0x7FFFFFFF  }
tec
execute0_lowered:
.L_overlay_start_1:
0x0: {  	(tag) =	ssettag $0x1  }
0x1: {  	s4 =	rddreg [dreg:$0x0]  }
0x2: {  	s5 =	rddreg [dreg:$0x1]  }
0x3: {  	s6 =	rddreg [dreg:$0x2]  }
0x4: {  	s2 =	rddreg [dreg:$0x3]  }
0x5: {  	s0 =	rddreg [dreg:$0x4];
	s1 =	stileid.u32  }
0x6: {  	s3 =	simm.s32 $0x0;
	s28 =	srdreg.scid;
	s14 =	simm.s32 $0x0  }
0x7: {  	s7 =	sshll.u32 s1, $0xC;
	s8 =	sshll.u32 s1, $0x8;
	[smem:$0x7FF] =	sst s3  }
0x8: {  	s10 =	sshll.u32 s1, $0xA;
	s29 =	sshll.u32 s1, $0x12;
	s30 =	sshll.u32 s1, $0x6  }
0x9: {  	s7 =	sor.u32 s8, s7;
	_ =	strace $0x80000047;
	s8 =	sand.u32 $0x1, s28  }
0xa: {  	s7 =	sand.u32 $0xC300, s7;
	s9 =	ssub.s32 $0x2, s8;
	s11 =	sshll.u32 s8, $0x9  }
0xb: {  	s8 =	sshll.u32 s8, $0x11;
	s12 =	sshrl.u32 s7, $0x3;
	s13 =	sshrl.u32 s9, $0x1  }
0xc: {  	s10 =	sor.u32 s11, s10;
	s31 =	sadd.s32 s7, s2;
	s11 =	simm.s32 $0x3  }
0xd: {  	s5 =	sadd.s32 s12, s5;
	s9 =	ssub.s32 s9, s13;
	s10 =	sshrl.u32 s10, $0x3  }
0xe: {  	s12 =	simm.s32 $0x200;
	s13 =	simm.s32 $0x1;
	s4 =	sadd.s32 s4, s10  }
0xf: {  	s5 =	sadd.s32 $0x1000, s5;
	s10 =	sadd.s32 s29, s6;
	s6 =	sor.u32 $0x1C03, s30  }
0x10: {  	s7 =	smax.u32 s9, $0x1;
	s9 =	simm.s32 $0x2;
	s8 =	sadd.s32 s8, s10  }
0x11: {  	s10 =	simm.s32 $0x80;
	[dreg:$0x5] =	wrdreg s8;
	s8 =	sshrl.u32 s31, $0x3  }
.LBB2_1:
0x12: {  	[tilespmem:s3], [sflag:$0x2] =	stream.linear.gather [hbm4b:s4+s3], $0x200, $0x38;
	[tilespmem:$0x11200] =	vst v63  }
0x13: {  	[spmem:s8@s10], [sflag:s6] =	dma.strided [hbm:s5@s10], $0x200, s9, $0x10   }
0x14: {  	_ =	swait.ge [sflag:s11], $0x200  }
0x15: {  	[sflag:s11] =	ssyncset.done $0x0  }
0x16: {  	[sflag:s11] =	ssyncadd.s32 $0xFFFFFE00  }
0x17: {  	[bflag:$0x0] =	sbarrier.arrive $0xFFFF  }
0x18: {  	[tilespmem:s12], [sflag:$0x3] =	stream.linear.gather [spmem:s2], $0x10000, $0x38;
	[tilespmem:$0x11200] =	vst v63  }
0x19: {  	_ =	swait.ge [sflag:s11], $0x10000  }
0x1a: {  	[sflag:s11] =	ssyncset.done $0x0  }
0x1b: {  	[sflag:s11] =	ssyncadd.s32 $0xFFFF0000  }
0x1c: {  	_ =	swait.ge [sflag:s9], $0x200  }
0x1d: {  	[sflag:s9] =	ssyncset.done $0x0  }
0x1e: {  	s15 =	simm.s32 $0x0;
	s16 =	simm.s32 $0x0;
	[sflag:s9] =	ssyncadd.s32 $0xFFFFFE00  }
.LBB2_2:
0x1f: {  	v0 =	vld [tilespmem:s15+$0x0];
	_ =	sdelay $0x4  }
0x20: {  	(v2sf) =	vpush v0, $0x0;
	_ =	sdelay $0xe  }
0x21: {  	s17 =	spop (v2sf)  }
0x22: {  	s19 =	sshll.u32 s17, $0xB;
	s17 =	sshll.u32 s17, $0x7  }
0x23: {  	s19 =	sand.u32 $0xFFFFC000, s19;
	s17 =	sand.u32 $0x380, s17  }
0x24: {  	s18 =	rddreg [dreg:$0x5];
	s19 =	sor.u32 s17, s19  }
0x25: {  	s17 =	sadd.s32 s16, s18;
	s21 =	sadd.s32 $0x200, s19  }
0x26: {  	[hbm4b:s17+s3] =	stream.linear.scatter [tilespmem:s21], [sflag:$0x1], $0x80, $0x38;
	[tilespmem:$0x11200] =	vst v63  }
0x27: {  	s22 =	sadd.s32 $0x600, s19;
	s20 =	sadd.s32 $0x80, s17  }
0x28: {  	[hbm4b:s20+s3] =	stream.linear.scatter [tilespmem:s22], [sflag:$0x1], $0x80, $0x38;
	[tilespmem:$0x11200] =	vst v63  }
0x29: {  	s23 =	sadd.s32 $0xA00, s19;
	s24 =	sadd.s32 $0x100, s17  }
0x2a: {  	[hbm4b:s24+s3] =	stream.linear.scatter [tilespmem:s23], [sflag:$0x1], $0x80, $0x38;
	[tilespmem:$0x11200] =	vst v63  }
0x2b: {  	s25 =	sadd.s32 $0xE00, s19;
	s26 =	sadd.s32 $0x180, s17  }
0x2c: {  	[hbm4b:s26+s3] =	stream.linear.scatter [tilespmem:s25], [sflag:$0x1], $0x80, $0x38;
	[tilespmem:$0x11200] =	vst v63  }
0x2d: {  	s28 =	sadd.s32 $0x1200, s19;
	s29 =	sadd.s32 $0x200, s17  }
0x2e: {  	(v2sf) =	vpush v0, $0x1;
	[hbm4b:s29+s3] =	stream.linear.scatter [tilespmem:s28], [sflag:$0x1], $0x80, $0x38;
	[tilespmem:$0x11200] =	vst v63  }
0x2f: {  	s30 =	sadd.s32 $0x1600, s19;
	s31 =	sadd.s32 $0x280, s17  }
0x30: {  	[hbm4b:s31+s3] =	stream.linear.scatter [tilespmem:s30], [sflag:$0x1], $0x80, $0x38;
	[tilespmem:$0x11200] =	vst v63  }
0x31: {  	s21 =	sadd.s32 $0x1A00, s19;
	s22 =	sadd.s32 $0x300, s17  }
0x32: {  	[hbm4b:s22+s3] =	stream.linear.scatter [tilespmem:s21], [sflag:$0x1], $0x80, $0x38;
	[tilespmem:$0x11200] =	vst v63  }
0x33: {  	s23 =	sadd.s32 $0x1E00, s19;
	s24 =	sadd.s32 $0x380, s17  }
0x34: {  	[hbm4b:s24+s3] =	stream.linear.scatter [tilespmem:s23], [sflag:$0x1], $0x80, $0x38;
	[tilespmem:$0x11200] =	vst v63  }
0x35: {  	s25 =	sadd.s32 $0x2200, s19;
	s26 =	sadd.s32 $0x400, s17  }
0x36: {  	[hbm4b:s26+s3] =	stream.linear.scatter [tilespmem:s25], [sflag:$0x1], $0x80, $0x38;
	[tilespmem:$0x11200] =	vst v63  }
0x37: {  	s28 =	sadd.s32 $0x2600, s19;
	s29 =	sadd.s32 $0x480, s17;
	s30 =	sadd.s32 $0x2A00, s19  }
0x38: {  	[hbm4b:s29+s3] =	stream.linear.scatter [tilespmem:s28], [sflag:$0x1], $0x80, $0x38;
	[tilespmem:$0x11200] =	vst v63  }
0x39: {  	s31 =	sadd.s32 $0x500, s17;
	s21 =	sadd.s32 $0x2E00, s19;
	s22 =	sadd.s32 $0x580, s17  }
0x3a: {  	[hbm4b:s31+s3] =	stream.linear.scatter [tilespmem:s30], [sflag:$0x1], $0x80, $0x38;
	[tilespmem:$0x11200] =	vst v63  }
0x3b: {  	s23 =	sadd.s32 $0x3200, s19;
	s24 =	sadd.s32 $0x600, s17;
	s25 =	sadd.s32 $0x3600, s19  }
0x3c: {  	[hbm4b:s22+s3] =	stream.linear.scatter [tilespmem:s21], [sflag:$0x1], $0x80, $0x38;
	[tilespmem:$0x11200] =	vst v63  }
0x3d: {  	s28 =	sadd.s32 $0x3A00, s19;
	s30 =	sadd.s32 $0x3E00, s19;
	s19 =	spop (v2sf)  }
0x3e: {  	[hbm4b:s24+s3] =	stream.linear.scatter [tilespmem:s23], [sflag:$0x1], $0x80, $0x38;
	[tilespmem:$0x11200] =	vst v63  }
0x3f: {  	s26 =	sadd.s32 $0x680, s17;
	s20 =	sshll.u32 s19, $0xB;
	s18 =	sshll.u32 s19, $0x7  }
0x40: {  	[hbm4b:s26+s3] =	stream.linear.scatter [tilespmem:s25], [sflag:$0x1], $0x80, $0x38;
	[tilespmem:$0x11200] =	vst v63  }
0x41: {  	s29 =	sadd.s32 $0x700, s17;
	s19 =	sand.u32 $0xFFFFC000, s20;
	s18 =	sand.u32 $0x380, s18  }
0x42: {  	[hbm4b:s29+s3] =	stream.linear.scatter [tilespmem:s28], [sflag:$0x1], $0x80, $0x38;
	[tilespmem:$0x11200] =	vst v63  }
0x43: {  	s31 =	sadd.s32 $0x780, s17;
	s18 =	sor.u32 s18, s19  }
0x44: {  	[hbm4b:s31+s3] =	stream.linear.scatter [tilespmem:s30], [sflag:$0x1], $0x80, $0x38;
	[tilespmem:$0x11200] =	vst v63  }
0x45: {  	s21 =	sadd.s32 $0x10, s17;
	s22 =	sadd.s32 $0x200, s18  }
0x46: {  	[hbm4b:s21+s3] =	stream.linear.scatter [tilespmem:s22], [sflag:$0x1], $0x80, $0x38;
	[tilespmem:$0x11200] =	vst v63  }
0x47: {  	s23 =	sadd.s32 $0x600, s18;
	s24 =	sadd.s32 $0x90, s17  }
0x48: {  	[hbm4b:s24+s3] =	stream.linear.scatter [tilespmem:s23], [sflag:$0x1], $0x80, $0x38;
	[tilespmem:$0x11200] =	vst v63  }
0x49: {  	s25 =	sadd.s32 $0xA00, s18;
	s26 =	sadd.s32 $0x110, s17  }
0x4a: {  	[hbm4b:s26+s3] =	stream.linear.scatter [tilespmem:s25], [sflag:$0x1], $0x80, $0x38;
	[tilespmem:$0x11200] =	vst v63  }
0x4b: {  	s28 =	sadd.s32 $0xE00, s18;
	s29 =	sadd.s32 $0x190, s17  }
0x4c: {  	[hbm4b:s29+s3] =	stream.linear.scatter [tilespmem:s28], [sflag:$0x1], $0x80, $0x38;
	[tilespmem:$0x11200] =	vst v63  }
0x4d: {  	s30 =	sadd.s32 $0x1200, s18;
	s31 =	sadd.s32 $0x210, s17  }
0x4e: {  	[hbm4b:s31+s3] =	stream.linear.scatter [tilespmem:s30], [sflag:$0x1], $0x80, $0x38;
	[tilespmem:$0x11200] =	vst v63  }
0x4f: {  	s21 =	sadd.s32 $0x1600, s18;
	s22 =	sadd.s32 $0x290, s17  }
0x50: {  	[hbm4b:s22+s3] =	stream.linear.scatter [tilespmem:s21], [sflag:$0x1], $0x80, $0x38;
	[tilespmem:$0x11200] =	vst v63  }
0x51: {  	s23 =	sadd.s32 $0x1A00, s18;
	s24 =	sadd.s32 $0x310, s17  }
0x52: {  	[hbm4b:s24+s3] =	stream.linear.scatter [tilespmem:s23], [sflag:$0x1], $0x80, $0x38;
	[tilespmem:$0x11200] =	vst v63  }
0x53: {  	s25 =	sadd.s32 $0x1E00, s18;
	s26 =	sadd.s32 $0x390, s17  }
0x54: {  	(v2sf) =	vpush v0, $0x2;
	[hbm4b:s26+s3] =	stream.linear.scatter [tilespmem:s25], [sflag:$0x1], $0x80, $0x38;
	[tilespmem:$0x11200] =	vst v63  }
0x55: {  	s28 =	sadd.s32 $0x2200, s18;
	s29 =	sadd.s32 $0x410, s17  }
0x56: {  	[hbm4b:s29+s3] =	stream.linear.scatter [tilespmem:s28], [sflag:$0x1], $0x80, $0x38;
	[tilespmem:$0x11200] =	vst v63  }
0x57: {  	s30 =	sadd.s32 $0x2600, s18;
	s31 =	sadd.s32 $0x490, s17  }
0x58: {  	[hbm4b:s31+s3] =	stream.linear.scatter [tilespmem:s30], [sflag:$0x1], $0x80, $0x38;
	[tilespmem:$0x11200] =	vst v63  }
0x59: {  	s20 =	sadd.s32 $0x2A00, s18;
	s21 =	sadd.s32 $0x510, s17  }
0x5a: {  	[hbm4b:s21+s3] =	stream.linear.scatter [tilespmem:s20], [sflag:$0x1], $0x80, $0x38;
	[tilespmem:$0x11200] =	vst v63  }
0x5b: {  	s22 =	sadd.s32 $0x2E00, s18;
	s23 =	sadd.s32 $0x590, s17  }
0x5c: {  	[hbm4b:s23+s3] =	stream.linear.scatter [tilespmem:s22], [sflag:$0x1], $0x80, $0x38;
	[tilespmem:$0x11200] =	vst v63  }
0x5d: {  	s24 =	sadd.s32 $0x3200, s18;
	s25 =	sadd.s32 $0x610, s17  }
0x5e: {  	[hbm4b:s25+s3] =	stream.linear.scatter [tilespmem:s24], [sflag:$0x1], $0x80, $0x38;
	[tilespmem:$0x11200] =	vst v63  }
0x5f: {  	s26 =	sadd.s32 $0x3600, s18;
	s28 =	sadd.s32 $0x690, s17  }
0x60: {  	[hbm4b:s28+s3] =	stream.linear.scatter [tilespmem:s26], [sflag:$0x1], $0x80, $0x38;
	[tilespmem:$0x11200] =	vst v63  }
0x61: {  	s29 =	sadd.s32 $0x3A00, s18;
	s30 =	sadd.s32 $0x710, s17  }
0x62: {  	[hbm4b:s30+s3] =	stream.linear.scatter [tilespmem:s29], [sflag:$0x1], $0x80, $0x38;
	[tilespmem:$0x11200] =	vst v63  }
0x63: {  	s19 =	spop (v2sf);
	s18 =	sadd.s32 $0x3E00, s18;
	s31 =	sadd.s32 $0x790, s17  }
0x64: {  	[hbm4b:s31+s3] =	stream.linear.scatter [tilespmem:s18], [sflag:$0x1], $0x80, $0x38;
	[tilespmem:$0x11200] =	vst v63  }
0x65: {  	s20 =	sshll.u32 s19, $0xB;
	s18 =	sshll.u32 s19, $0x7  }
0x66: {  	s19 =	sand.u32 $0xFFFFC000, s20;
	s18 =	sand.u32 $0x380, s18  }
0x67: {  	s18 =	sor.u32 s18, s19  }
0x68: {  	s21 =	sadd.s32 $0x20, s17;
	s22 =	sadd.s32 $0x200, s18  }
0x69: {  	[hbm4b:s21+s3] =	stream.linear.scatter [tilespmem:s22], [sflag:$0x1], $0x80, $0x38;
	[tilespmem:$0x11200] =	vst v63  }
0x6a: {  	s24 =	sadd.s32 $0xA0, s17;
	s23 =	sadd.s32 $0x600, s18  }
0x6b: {  	[hbm4b:s24+s3] =	stream.linear.scatter [tilespmem:s23], [sflag:$0x1], $0x80, $0x38;
	[tilespmem:$0x11200] =	vst v63  }
0x6c: {  	s26 =	sadd.s32 $0x120, s17;
	s25 =	sadd.s32 $0xA00, s18  }
0x6d: {  	[hbm4b:s26+s3] =	stream.linear.scatter [tilespmem:s25], [sflag:$0x1], $0x80, $0x38;
	[tilespmem:$0x11200] =	vst v63  }
0x6e: {  	s29 =	sadd.s32 $0x1A0, s17;
	s28 =	sadd.s32 $0xE00, s18  }
0x6f: {  	[hbm4b:s29+s3] =	stream.linear.scatter [tilespmem:s28], [sflag:$0x1], $0x80, $0x38;
	[tilespmem:$0x11200] =	vst v63  }
0x70: {  	s31 =	sadd.s32 $0x220, s17;
	s30 =	sadd.s32 $0x1200, s18  }
0x71: {  	[hbm4b:s31+s3] =	stream.linear.scatter [tilespmem:s30], [sflag:$0x1], $0x80, $0x38;
	[tilespmem:$0x11200] =	vst v63  }
0x72: {  	s21 =	sadd.s32 $0x1600, s18;
	s22 =	sadd.s32 $0x2A0, s17  }
0x73: {  	[hbm4b:s22+s3] =	stream.linear.scatter [tilespmem:s21], [sflag:$0x1], $0x80, $0x38;
	[tilespmem:$0x11200] =	vst v63  }
0x74: {  	s23 =	sadd.s32 $0x1A00, s18;
	s24 =	sadd.s32 $0x320, s17  }
0x75: {  	[hbm4b:s24+s3] =	stream.linear.scatter [tilespmem:s23], [sflag:$0x1], $0x80, $0x38;
	[tilespmem:$0x11200] =	vst v63  }
0x76: {  	s25 =	sadd.s32 $0x1E00, s18;
	s26 =	sadd.s32 $0x3A0, s17  }
0x77: {  	(v2sf) =	vpush v0, $0x3;
	[hbm4b:s26+s3] =	stream.linear.scatter [tilespmem:s25], [sflag:$0x1], $0x80, $0x38;
	[tilespmem:$0x11200] =	vst v63  }
0x78: {  	s28 =	sadd.s32 $0x2200, s18;
	s29 =	sadd.s32 $0x420, s17  }
0x79: {  	[hbm4b:s29+s3] =	stream.linear.scatter [tilespmem:s28], [sflag:$0x1], $0x80, $0x38;
	[tilespmem:$0x11200] =	vst v63  }
0x7a: {  	s30 =	sadd.s32 $0x2600, s18;
	s31 =	sadd.s32 $0x4A0, s17  }
0x7b: {  	[hbm4b:s31+s3] =	stream.linear.scatter [tilespmem:s30], [sflag:$0x1], $0x80, $0x38;
	[tilespmem:$0x11200] =	vst v63  }
0x7c: {  	s20 =	sadd.s32 $0x2A00, s18;
	s21 =	sadd.s32 $0x520, s17  }
0x7d: {  	[hbm4b:s21+s3] =	stream.linear.scatter [tilespmem:s20], [sflag:$0x1], $0x80, $0x38;
	[tilespmem:$0x11200] =	vst v63  }
0x7e: {  	s22 =	sadd.s32 $0x2E00, s18;
	s23 =	sadd.s32 $0x5A0, s17  }
0x7f: {  	[hbm4b:s23+s3] =	stream.linear.scatter [tilespmem:s22], [sflag:$0x1], $0x80, $0x38;
	[tilespmem:$0x11200] =	vst v63  }
0x80: {  	s24 =	sadd.s32 $0x3200, s18;
	s25 =	sadd.s32 $0x620, s17  }
0x81: {  	[hbm4b:s25+s3] =	stream.linear.scatter [tilespmem:s24], [sflag:$0x1], $0x80, $0x38;
	[tilespmem:$0x11200] =	vst v63  }
0x82: {  	s26 =	sadd.s32 $0x3600, s18;
	s28 =	sadd.s32 $0x6A0, s17  }
0x83: {  	[hbm4b:s28+s3] =	stream.linear.scatter [tilespmem:s26], [sflag:$0x1], $0x80, $0x38;
	[tilespmem:$0x11200] =	vst v63  }
0x84: {  	s29 =	sadd.s32 $0x3A00, s18;
	s30 =	sadd.s32 $0x720, s17  }
0x85: {  	[hbm4b:s30+s3] =	stream.linear.scatter [tilespmem:s29], [sflag:$0x1], $0x80, $0x38;
	[tilespmem:$0x11200] =	vst v63  }
0x86: {  	s19 =	spop (v2sf);
	s18 =	sadd.s32 $0x3E00, s18;
	s31 =	sadd.s32 $0x7A0, s17  }
0x87: {  	[hbm4b:s31+s3] =	stream.linear.scatter [tilespmem:s18], [sflag:$0x1], $0x80, $0x38;
	[tilespmem:$0x11200] =	vst v63  }
0x88: {  	s20 =	sshll.u32 s19, $0xB;
	s18 =	sshll.u32 s19, $0x7  }
0x89: {  	s19 =	sand.u32 $0xFFFFC000, s20;
	s18 =	sand.u32 $0x380, s18  }
0x8a: {  	s18 =	sor.u32 s18, s19  }
0x8b: {  	s21 =	sadd.s32 $0x30, s17;
	s22 =	sadd.s32 $0x200, s18  }
0x8c: {  	[hbm4b:s21+s3] =	stream.linear.scatter [tilespmem:s22], [sflag:$0x1], $0x80, $0x38;
	[tilespmem:$0x11200] =	vst v63  }
0x8d: {  	s24 =	sadd.s32 $0xB0, s17;
	s23 =	sadd.s32 $0x600, s18  }
0x8e: {  	[hbm4b:s24+s3] =	stream.linear.scatter [tilespmem:s23], [sflag:$0x1], $0x80, $0x38;
	[tilespmem:$0x11200] =	vst v63  }
0x8f: {  	s26 =	sadd.s32 $0x130, s17;
	s25 =	sadd.s32 $0xA00, s18  }
0x90: {  	[hbm4b:s26+s3] =	stream.linear.scatter [tilespmem:s25], [sflag:$0x1], $0x80, $0x38;
	[tilespmem:$0x11200] =	vst v63  }
0x91: {  	s29 =	sadd.s32 $0x1B0, s17;
	s28 =	sadd.s32 $0xE00, s18  }
0x92: {  	[hbm4b:s29+s3] =	stream.linear.scatter [tilespmem:s28], [sflag:$0x1], $0x80, $0x38;
	[tilespmem:$0x11200] =	vst v63  }
0x93: {  	s31 =	sadd.s32 $0x230, s17;
	s30 =	sadd.s32 $0x1200, s18  }
0x94: {  	[hbm4b:s31+s3] =	stream.linear.scatter [tilespmem:s30], [sflag:$0x1], $0x80, $0x38;
	[tilespmem:$0x11200] =	vst v63  }
0x95: {  	s21 =	sadd.s32 $0x1600, s18;
	s22 =	sadd.s32 $0x2B0, s17  }
0x96: {  	[hbm4b:s22+s3] =	stream.linear.scatter [tilespmem:s21], [sflag:$0x1], $0x80, $0x38;
	[tilespmem:$0x11200] =	vst v63  }
0x97: {  	s23 =	sadd.s32 $0x1A00, s18;
	s24 =	sadd.s32 $0x330, s17  }
0x98: {  	[hbm4b:s24+s3] =	stream.linear.scatter [tilespmem:s23], [sflag:$0x1], $0x80, $0x38;
	[tilespmem:$0x11200] =	vst v63  }
0x99: {  	s25 =	sadd.s32 $0x1E00, s18;
	s26 =	sadd.s32 $0x3B0, s17  }
0x9a: {  	(v2sf) =	vpush v0, $0x4;
	[hbm4b:s26+s3] =	stream.linear.scatter [tilespmem:s25], [sflag:$0x1], $0x80, $0x38;
	[tilespmem:$0x11200] =	vst v63  }
0x9b: {  	s28 =	sadd.s32 $0x2200, s18;
	s29 =	sadd.s32 $0x430, s17  }
0x9c: {  	[hbm4b:s29+s3] =	stream.linear.scatter [tilespmem:s28], [sflag:$0x1], $0x80, $0x38;
	[tilespmem:$0x11200] =	vst v63  }
0x9d: {  	s30 =	sadd.s32 $0x2600, s18;
	s31 =	sadd.s32 $0x4B0, s17  }
0x9e: {  	[hbm4b:s31+s3] =	stream.linear.scatter [tilespmem:s30], [sflag:$0x1], $0x80, $0x38;
	[tilespmem:$0x11200] =	vst v63  }
0x9f: {  	s20 =	sadd.s32 $0x2A00, s18;
	s21 =	sadd.s32 $0x530, s17  }
0xa0: {  	[hbm4b:s21+s3] =	stream.linear.scatter [tilespmem:s20], [sflag:$0x1], $0x80, $0x38;
	[tilespmem:$0x11200] =	vst v63  }
0xa1: {  	s22 =	sadd.s32 $0x2E00, s18;
	s23 =	sadd.s32 $0x5B0, s17  }
0xa2: {  	[hbm4b:s23+s3] =	stream.linear.scatter [tilespmem:s22], [sflag:$0x1], $0x80, $0x38;
	[tilespmem:$0x11200] =	vst v63  }
0xa3: {  	s24 =	sadd.s32 $0x3200, s18;
	s25 =	sadd.s32 $0x630, s17  }
0xa4: {  	[hbm4b:s25+s3] =	stream.linear.scatter [tilespmem:s24], [sflag:$0x1], $0x80, $0x38;
	[tilespmem:$0x11200] =	vst v63  }
0xa5: {  	s26 =	sadd.s32 $0x3600, s18;
	s28 =	sadd.s32 $0x6B0, s17  }
0xa6: {  	[hbm4b:s28+s3] =	stream.linear.scatter [tilespmem:s26], [sflag:$0x1], $0x80, $0x38;
	[tilespmem:$0x11200] =	vst v63  }
0xa7: {  	s29 =	sadd.s32 $0x3A00, s18;
	s30 =	sadd.s32 $0x730, s17  }
0xa8: {  	[hbm4b:s30+s3] =	stream.linear.scatter [tilespmem:s29], [sflag:$0x1], $0x80, $0x38;
	[tilespmem:$0x11200] =	vst v63  }
0xa9: {  	s19 =	spop (v2sf);
	s18 =	sadd.s32 $0x3E00, s18;
	s31 =	sadd.s32 $0x7B0, s17  }
0xaa: {  	[hbm4b:s31+s3] =	stream.linear.scatter [tilespmem:s18], [sflag:$0x1], $0x80, $0x38;
	[tilespmem:$0x11200] =	vst v63  }
0xab: {  	s20 =	sshll.u32 s19, $0xB;
	s18 =	sshll.u32 s19, $0x7  }
0xac: {  	s19 =	sand.u32 $0xFFFFC000, s20;
	s18 =	sand.u32 $0x380, s18  }
0xad: {  	s18 =	sor.u32 s18, s19  }
0xae: {  	s21 =	sadd.s32 $0x40, s17;
	s22 =	sadd.s32 $0x200, s18  }
0xaf: {  	[hbm4b:s21+s3] =	stream.linear.scatter [tilespmem:s22], [sflag:$0x1], $0x80, $0x38;
	[tilespmem:$0x11200] =	vst v63  }
0xb0: {  	s24 =	sadd.s32 $0xC0, s17;
	s23 =	sadd.s32 $0x600, s18  }
0xb1: {  	[hbm4b:s24+s3] =	stream.linear.scatter [tilespmem:s23], [sflag:$0x1], $0x80, $0x38;
	[tilespmem:$0x11200] =	vst v63  }
0xb2: {  	s26 =	sadd.s32 $0x140, s17;
	s25 =	sadd.s32 $0xA00, s18  }
0xb3: {  	[hbm4b:s26+s3] =	stream.linear.scatter [tilespmem:s25], [sflag:$0x1], $0x80, $0x38;
	[tilespmem:$0x11200] =	vst v63  }
0xb4: {  	s29 =	sadd.s32 $0x1C0, s17;
	s28 =	sadd.s32 $0xE00, s18  }
0xb5: {  	[hbm4b:s29+s3] =	stream.linear.scatter [tilespmem:s28], [sflag:$0x1], $0x80, $0x38;
	[tilespmem:$0x11200] =	vst v63  }
0xb6: {  	s31 =	sadd.s32 $0x240, s17;
	s30 =	sadd.s32 $0x1200, s18  }
0xb7: {  	[hbm4b:s31+s3] =	stream.linear.scatter [tilespmem:s30], [sflag:$0x1], $0x80, $0x38;
	[tilespmem:$0x11200] =	vst v63  }
0xb8: {  	s21 =	sadd.s32 $0x1600, s18;
	s22 =	sadd.s32 $0x2C0, s17  }
0xb9: {  	[hbm4b:s22+s3] =	stream.linear.scatter [tilespmem:s21], [sflag:$0x1], $0x80, $0x38;
	[tilespmem:$0x11200] =	vst v63  }
0xba: {  	s23 =	sadd.s32 $0x1A00, s18;
	s24 =	sadd.s32 $0x340, s17  }
0xbb: {  	[hbm4b:s24+s3] =	stream.linear.scatter [tilespmem:s23], [sflag:$0x1], $0x80, $0x38;
	[tilespmem:$0x11200] =	vst v63  }
0xbc: {  	s25 =	sadd.s32 $0x1E00, s18;
	s26 =	sadd.s32 $0x3C0, s17  }
0xbd: {  	(v2sf) =	vpush v0, $0x5;
	[hbm4b:s26+s3] =	stream.linear.scatter [tilespmem:s25], [sflag:$0x1], $0x80, $0x38;
	[tilespmem:$0x11200] =	vst v63  }
0xbe: {  	s28 =	sadd.s32 $0x2200, s18;
	s29 =	sadd.s32 $0x440, s17  }
0xbf: {  	[hbm4b:s29+s3] =	stream.linear.scatter [tilespmem:s28], [sflag:$0x1], $0x80, $0x38;
	[tilespmem:$0x11200] =	vst v63  }
0xc0: {  	s30 =	sadd.s32 $0x2600, s18;
	s31 =	sadd.s32 $0x4C0, s17  }
0xc1: {  	[hbm4b:s31+s3] =	stream.linear.scatter [tilespmem:s30], [sflag:$0x1], $0x80, $0x38;
	[tilespmem:$0x11200] =	vst v63  }
0xc2: {  	s20 =	sadd.s32 $0x2A00, s18;
	s21 =	sadd.s32 $0x540, s17  }
0xc3: {  	[hbm4b:s21+s3] =	stream.linear.scatter [tilespmem:s20], [sflag:$0x1], $0x80, $0x38;
	[tilespmem:$0x11200] =	vst v63  }
0xc4: {  	s22 =	sadd.s32 $0x2E00, s18;
	s23 =	sadd.s32 $0x5C0, s17  }
0xc5: {  	[hbm4b:s23+s3] =	stream.linear.scatter [tilespmem:s22], [sflag:$0x1], $0x80, $0x38;
	[tilespmem:$0x11200] =	vst v63  }
0xc6: {  	s24 =	sadd.s32 $0x3200, s18;
	s25 =	sadd.s32 $0x640, s17  }
0xc7: {  	[hbm4b:s25+s3] =	stream.linear.scatter [tilespmem:s24], [sflag:$0x1], $0x80, $0x38;
	[tilespmem:$0x11200] =	vst v63  }
0xc8: {  	s26 =	sadd.s32 $0x3600, s18;
	s28 =	sadd.s32 $0x6C0, s17  }
0xc9: {  	[hbm4b:s28+s3] =	stream.linear.scatter [tilespmem:s26], [sflag:$0x1], $0x80, $0x38;
	[tilespmem:$0x11200] =	vst v63  }
0xca: {  	s29 =	sadd.s32 $0x3A00, s18;
	s30 =	sadd.s32 $0x740, s17  }
0xcb: {  	[hbm4b:s30+s3] =	stream.linear.scatter [tilespmem:s29], [sflag:$0x1], $0x80, $0x38;
	[tilespmem:$0x11200] =	vst v63  }
0xcc: {  	s19 =	spop (v2sf);
	s18 =	sadd.s32 $0x3E00, s18;
	s31 =	sadd.s32 $0x7C0, s17  }
0xcd: {  	[hbm4b:s31+s3] =	stream.linear.scatter [tilespmem:s18], [sflag:$0x1], $0x80, $0x38;
	[tilespmem:$0x11200] =	vst v63  }
0xce: {  	s20 =	sshll.u32 s19, $0xB;
	s18 =	sshll.u32 s19, $0x7  }
0xcf: {  	s19 =	sand.u32 $0xFFFFC000, s20;
	s18 =	sand.u32 $0x380, s18  }
0xd0: {  	s18 =	sor.u32 s18, s19  }
0xd1: {  	s21 =	sadd.s32 $0x50, s17;
	s22 =	sadd.s32 $0x200, s18  }
0xd2: {  	[hbm4b:s21+s3] =	stream.linear.scatter [tilespmem:s22], [sflag:$0x1], $0x80, $0x38;
	[tilespmem:$0x11200] =	vst v63  }
0xd3: {  	s24 =	sadd.s32 $0xD0, s17;
	s23 =	sadd.s32 $0x600, s18  }
0xd4: {  	[hbm4b:s24+s3] =	stream.linear.scatter [tilespmem:s23], [sflag:$0x1], $0x80, $0x38;
	[tilespmem:$0x11200] =	vst v63  }
0xd5: {  	s26 =	sadd.s32 $0x150, s17;
	s25 =	sadd.s32 $0xA00, s18  }
0xd6: {  	[hbm4b:s26+s3] =	stream.linear.scatter [tilespmem:s25], [sflag:$0x1], $0x80, $0x38;
	[tilespmem:$0x11200] =	vst v63  }
0xd7: {  	s29 =	sadd.s32 $0x1D0, s17;
	s28 =	sadd.s32 $0xE00, s18  }
0xd8: {  	[hbm4b:s29+s3] =	stream.linear.scatter [tilespmem:s28], [sflag:$0x1], $0x80, $0x38;
	[tilespmem:$0x11200] =	vst v63  }
0xd9: {  	s31 =	sadd.s32 $0x250, s17;
	s30 =	sadd.s32 $0x1200, s18  }
0xda: {  	[hbm4b:s31+s3] =	stream.linear.scatter [tilespmem:s30], [sflag:$0x1], $0x80, $0x38;
	[tilespmem:$0x11200] =	vst v63  }
0xdb: {  	s21 =	sadd.s32 $0x1600, s18;
	s22 =	sadd.s32 $0x2D0, s17  }
0xdc: {  	[hbm4b:s22+s3] =	stream.linear.scatter [tilespmem:s21], [sflag:$0x1], $0x80, $0x38;
	[tilespmem:$0x11200] =	vst v63  }
0xdd: {  	s23 =	sadd.s32 $0x1A00, s18;
	s24 =	sadd.s32 $0x350, s17  }
0xde: {  	[hbm4b:s24+s3] =	stream.linear.scatter [tilespmem:s23], [sflag:$0x1], $0x80, $0x38;
	[tilespmem:$0x11200] =	vst v63  }
0xdf: {  	s25 =	sadd.s32 $0x1E00, s18;
	s26 =	sadd.s32 $0x3D0, s17  }
0xe0: {  	(v2sf) =	vpush v0, $0x6;
	[hbm4b:s26+s3] =	stream.linear.scatter [tilespmem:s25], [sflag:$0x1], $0x80, $0x38;
	[tilespmem:$0x11200] =	vst v63  }
0xe1: {  	s28 =	sadd.s32 $0x2200, s18;
	s29 =	sadd.s32 $0x450, s17  }
0xe2: {  	[hbm4b:s29+s3] =	stream.linear.scatter [tilespmem:s28], [sflag:$0x1], $0x80, $0x38;
	[tilespmem:$0x11200] =	vst v63  }
0xe3: {  	s30 =	sadd.s32 $0x2600, s18;
	s31 =	sadd.s32 $0x4D0, s17  }
0xe4: {  	[hbm4b:s31+s3] =	stream.linear.scatter [tilespmem:s30], [sflag:$0x1], $0x80, $0x38;
	[tilespmem:$0x11200] =	vst v63  }
0xe5: {  	s20 =	sadd.s32 $0x2A00, s18;
	s21 =	sadd.s32 $0x550, s17  }
0xe6: {  	[hbm4b:s21+s3] =	stream.linear.scatter [tilespmem:s20], [sflag:$0x1], $0x80, $0x38;
	[tilespmem:$0x11200] =	vst v63  }
0xe7: {  	s22 =	sadd.s32 $0x2E00, s18;
	s23 =	sadd.s32 $0x5D0, s17  }
0xe8: {  	[hbm4b:s23+s3] =	stream.linear.scatter [tilespmem:s22], [sflag:$0x1], $0x80, $0x38;
	[tilespmem:$0x11200] =	vst v63  }
0xe9: {  	s24 =	sadd.s32 $0x3200, s18;
	s25 =	sadd.s32 $0x650, s17  }
0xea: {  	[hbm4b:s25+s3] =	stream.linear.scatter [tilespmem:s24], [sflag:$0x1], $0x80, $0x38;
	[tilespmem:$0x11200] =	vst v63  }
0xeb: {  	s26 =	sadd.s32 $0x3600, s18;
	s28 =	sadd.s32 $0x6D0, s17  }
0xec: {  	[hbm4b:s28+s3] =	stream.linear.scatter [tilespmem:s26], [sflag:$0x1], $0x80, $0x38;
	[tilespmem:$0x11200] =	vst v63  }
0xed: {  	s29 =	sadd.s32 $0x3A00, s18;
	s30 =	sadd.s32 $0x750, s17  }
0xee: {  	[hbm4b:s30+s3] =	stream.linear.scatter [tilespmem:s29], [sflag:$0x1], $0x80, $0x38;
	[tilespmem:$0x11200] =	vst v63  }
0xef: {  	s19 =	spop (v2sf);
	s18 =	sadd.s32 $0x3E00, s18;
	s31 =	sadd.s32 $0x7D0, s17  }
0xf0: {  	[hbm4b:s31+s3] =	stream.linear.scatter [tilespmem:s18], [sflag:$0x1], $0x80, $0x38;
	[tilespmem:$0x11200] =	vst v63  }
0xf1: {  	s20 =	sshll.u32 s19, $0xB;
	s18 =	sshll.u32 s19, $0x7  }
0xf2: {  	s19 =	sand.u32 $0xFFFFC000, s20;
	s18 =	sand.u32 $0x380, s18  }
0xf3: {  	s18 =	sor.u32 s18, s19  }
0xf4: {  	s21 =	sadd.s32 $0x60, s17;
	s22 =	sadd.s32 $0x200, s18  }
0xf5: {  	[hbm4b:s21+s3] =	stream.linear.scatter [tilespmem:s22], [sflag:$0x1], $0x80, $0x38;
	[tilespmem:$0x11200] =	vst v63  }
0xf6: {  	s24 =	sadd.s32 $0xE0, s17;
	s23 =	sadd.s32 $0x600, s18  }
0xf7: {  	[hbm4b:s24+s3] =	stream.linear.scatter [tilespmem:s23], [sflag:$0x1], $0x80, $0x38;
	[tilespmem:$0x11200] =	vst v63  }
0xf8: {  	s26 =	sadd.s32 $0x160, s17;
	s25 =	sadd.s32 $0xA00, s18  }
0xf9: {  	[hbm4b:s26+s3] =	stream.linear.scatter [tilespmem:s25], [sflag:$0x1], $0x80, $0x38;
	[tilespmem:$0x11200] =	vst v63  }
0xfa: {  	s29 =	sadd.s32 $0x1E0, s17;
	s28 =	sadd.s32 $0xE00, s18  }
0xfb: {  	[hbm4b:s29+s3] =	stream.linear.scatter [tilespmem:s28], [sflag:$0x1], $0x80, $0x38;
	[tilespmem:$0x11200] =	vst v63  }
0xfc: {  	s31 =	sadd.s32 $0x260, s17;
	s30 =	sadd.s32 $0x1200, s18  }
0xfd: {  	[hbm4b:s31+s3] =	stream.linear.scatter [tilespmem:s30], [sflag:$0x1], $0x80, $0x38;
	[tilespmem:$0x11200] =	vst v63  }
0xfe: {  	s21 =	sadd.s32 $0x1600, s18;
	s22 =	sadd.s32 $0x2E0, s17  }
0xff: {  	[hbm4b:s22+s3] =	stream.linear.scatter [tilespmem:s21], [sflag:$0x1], $0x80, $0x38;
	[tilespmem:$0x11200] =	vst v63  }
0x100: {  	s23 =	sadd.s32 $0x1A00, s18;
	s24 =	sadd.s32 $0x360, s17  }
0x101: {  	[hbm4b:s24+s3] =	stream.linear.scatter [tilespmem:s23], [sflag:$0x1], $0x80, $0x38;
	[tilespmem:$0x11200] =	vst v63  }
0x102: {  	s25 =	sadd.s32 $0x1E00, s18;
	s26 =	sadd.s32 $0x3E0, s17  }
0x103: {  	(v2sf) =	vpush v0, $0x7;
	[hbm4b:s26+s3] =	stream.linear.scatter [tilespmem:s25], [sflag:$0x1], $0x80, $0x38;
	[tilespmem:$0x11200] =	vst v63  }
0x104: {  	s28 =	sadd.s32 $0x2200, s18;
	s29 =	sadd.s32 $0x460, s17  }
0x105: {  	[hbm4b:s29+s3] =	stream.linear.scatter [tilespmem:s28], [sflag:$0x1], $0x80, $0x38;
	[tilespmem:$0x11200] =	vst v63  }
0x106: {  	s30 =	sadd.s32 $0x2600, s18;
	s31 =	sadd.s32 $0x4E0, s17  }
0x107: {  	[hbm4b:s31+s3] =	stream.linear.scatter [tilespmem:s30], [sflag:$0x1], $0x80, $0x38;
	[tilespmem:$0x11200] =	vst v63  }
0x108: {  	s20 =	sadd.s32 $0x2A00, s18;
	s21 =	sadd.s32 $0x560, s17  }
0x109: {  	[hbm4b:s21+s3] =	stream.linear.scatter [tilespmem:s20], [sflag:$0x1], $0x80, $0x38;
	[tilespmem:$0x11200] =	vst v63  }
0x10a: {  	s22 =	sadd.s32 $0x2E00, s18;
	s23 =	sadd.s32 $0x5E0, s17  }
0x10b: {  	[hbm4b:s23+s3] =	stream.linear.scatter [tilespmem:s22], [sflag:$0x1], $0x80, $0x38;
	[tilespmem:$0x11200] =	vst v63  }
0x10c: {  	s24 =	sadd.s32 $0x3200, s18;
	s25 =	sadd.s32 $0x660, s17  }
0x10d: {  	[hbm4b:s25+s3] =	stream.linear.scatter [tilespmem:s24], [sflag:$0x1], $0x80, $0x38;
	[tilespmem:$0x11200] =	vst v63  }
0x10e: {  	s26 =	sadd.s32 $0x3600, s18;
	s28 =	sadd.s32 $0x6E0, s17  }
0x10f: {  	[hbm4b:s28+s3] =	stream.linear.scatter [tilespmem:s26], [sflag:$0x1], $0x80, $0x38;
	[tilespmem:$0x11200] =	vst v63  }
0x110: {  	s29 =	sadd.s32 $0x3A00, s18;
	s30 =	sadd.s32 $0x760, s17  }
0x111: {  	[hbm4b:s30+s3] =	stream.linear.scatter [tilespmem:s29], [sflag:$0x1], $0x80, $0x38;
	[tilespmem:$0x11200] =	vst v63  }
0x112: {  	s19 =	spop (v2sf);
	s18 =	sadd.s32 $0x3E00, s18;
	s31 =	sadd.s32 $0x7E0, s17  }
0x113: {  	[hbm4b:s31+s3] =	stream.linear.scatter [tilespmem:s18], [sflag:$0x1], $0x80, $0x38;
	[tilespmem:$0x11200] =	vst v63  }
0x114: {  	s20 =	sshll.u32 s19, $0xB;
	s18 =	sshll.u32 s19, $0x7  }
0x115: {  	s19 =	sand.u32 $0xFFFFC000, s20;
	s18 =	sand.u32 $0x380, s18  }
0x116: {  	s18 =	sor.u32 s18, s19  }
0x117: {  	s21 =	sadd.s32 $0x70, s17;
	s22 =	sadd.s32 $0x200, s18  }
0x118: {  	[hbm4b:s21+s3] =	stream.linear.scatter [tilespmem:s22], [sflag:$0x1], $0x80, $0x38;
	[tilespmem:$0x11200] =	vst v63  }
0x119: {  	s24 =	sadd.s32 $0xF0, s17;
	s23 =	sadd.s32 $0x600, s18  }
0x11a: {  	[hbm4b:s24+s3] =	stream.linear.scatter [tilespmem:s23], [sflag:$0x1], $0x80, $0x38;
	[tilespmem:$0x11200] =	vst v63  }
0x11b: {  	s26 =	sadd.s32 $0x170, s17;
	s25 =	sadd.s32 $0xA00, s18  }
0x11c: {  	[hbm4b:s26+s3] =	stream.linear.scatter [tilespmem:s25], [sflag:$0x1], $0x80, $0x38;
	[tilespmem:$0x11200] =	vst v63  }
0x11d: {  	s29 =	sadd.s32 $0x1F0, s17;
	s28 =	sadd.s32 $0xE00, s18  }
0x11e: {  	[hbm4b:s29+s3] =	stream.linear.scatter [tilespmem:s28], [sflag:$0x1], $0x80, $0x38;
	[tilespmem:$0x11200] =	vst v63  }
0x11f: {  	s31 =	sadd.s32 $0x270, s17;
	s30 =	sadd.s32 $0x1200, s18  }
0x120: {  	[hbm4b:s31+s3] =	stream.linear.scatter [tilespmem:s30], [sflag:$0x1], $0x80, $0x38;
	[tilespmem:$0x11200] =	vst v63  }
0x121: {  	s21 =	sadd.s32 $0x1600, s18;
	s22 =	sadd.s32 $0x2F0, s17  }
0x122: {  	[hbm4b:s22+s3] =	stream.linear.scatter [tilespmem:s21], [sflag:$0x1], $0x80, $0x38;
	[tilespmem:$0x11200] =	vst v63  }
0x123: {  	s23 =	sadd.s32 $0x1A00, s18;
	s24 =	sadd.s32 $0x370, s17  }
0x124: {  	[hbm4b:s24+s3] =	stream.linear.scatter [tilespmem:s23], [sflag:$0x1], $0x80, $0x38;
	[tilespmem:$0x11200] =	vst v63  }
0x125: {  	s25 =	sadd.s32 $0x1E00, s18;
	s26 =	sadd.s32 $0x3F0, s17  }
0x126: {  	(v2sf) =	vpush v0, $0x8;
	[hbm4b:s26+s3] =	stream.linear.scatter [tilespmem:s25], [sflag:$0x1], $0x80, $0x38;
	[tilespmem:$0x11200] =	vst v63  }
0x127: {  	s28 =	sadd.s32 $0x2200, s18;
	s29 =	sadd.s32 $0x470, s17  }
0x128: {  	[hbm4b:s29+s3] =	stream.linear.scatter [tilespmem:s28], [sflag:$0x1], $0x80, $0x38;
	[tilespmem:$0x11200] =	vst v63  }
0x129: {  	s30 =	sadd.s32 $0x2600, s18;
	s31 =	sadd.s32 $0x4F0, s17  }
0x12a: {  	[hbm4b:s31+s3] =	stream.linear.scatter [tilespmem:s30], [sflag:$0x1], $0x80, $0x38;
	[tilespmem:$0x11200] =	vst v63  }
0x12b: {  	s20 =	sadd.s32 $0x2A00, s18;
	s21 =	sadd.s32 $0x570, s17  }
0x12c: {  	[hbm4b:s21+s3] =	stream.linear.scatter [tilespmem:s20], [sflag:$0x1], $0x80, $0x38;
	[tilespmem:$0x11200] =	vst v63  }
0x12d: {  	s22 =	sadd.s32 $0x2E00, s18;
	s23 =	sadd.s32 $0x5F0, s17  }
0x12e: {  	[hbm4b:s23+s3] =	stream.linear.scatter [tilespmem:s22], [sflag:$0x1], $0x80, $0x38;
	[tilespmem:$0x11200] =	vst v63  }
0x12f: {  	s24 =	sadd.s32 $0x3200, s18;
	s25 =	sadd.s32 $0x670, s17  }
0x130: {  	[hbm4b:s25+s3] =	stream.linear.scatter [tilespmem:s24], [sflag:$0x1], $0x80, $0x38;
	[tilespmem:$0x11200] =	vst v63  }
0x131: {  	s26 =	sadd.s32 $0x3600, s18;
	s28 =	sadd.s32 $0x6F0, s17  }
0x132: {  	[hbm4b:s28+s3] =	stream.linear.scatter [tilespmem:s26], [sflag:$0x1], $0x80, $0x38;
	[tilespmem:$0x11200] =	vst v63  }
0x133: {  	s29 =	sadd.s32 $0x3A00, s18;
	s30 =	sadd.s32 $0x770, s17  }
0x134: {  	[hbm4b:s30+s3] =	stream.linear.scatter [tilespmem:s29], [sflag:$0x1], $0x80, $0x38;
	[tilespmem:$0x11200] =	vst v63  }
0x135: {  	s19 =	spop (v2sf);
	s18 =	sadd.s32 $0x3E00, s18;
	s31 =	sadd.s32 $0x7F0, s17  }
0x136: {  	[hbm4b:s31+s3] =	stream.linear.scatter [tilespmem:s18], [sflag:$0x1], $0x80, $0x38;
	[tilespmem:$0x11200] =	vst v63  }
0x137: {  	s20 =	sshll.u32 s19, $0xB;
	s18 =	sshll.u32 s19, $0x7  }
0x138: {  	s19 =	sand.u32 $0xFFFFC000, s20;
	s18 =	sand.u32 $0x380, s18  }
0x139: {  	s18 =	sor.u32 s18, s19  }
0x13a: {  	s21 =	sadd.s32 $0x800, s17;
	s22 =	sadd.s32 $0x200, s18  }
0x13b: {  	[hbm4b:s21+s3] =	stream.linear.scatter [tilespmem:s22], [sflag:$0x1], $0x80, $0x38;
	[tilespmem:$0x11200] =	vst v63  }
0x13c: {  	s24 =	sadd.s32 $0x880, s17;
	s23 =	sadd.s32 $0x600, s18  }
0x13d: {  	[hbm4b:s24+s3] =	stream.linear.scatter [tilespmem:s23], [sflag:$0x1], $0x80, $0x38;
	[tilespmem:$0x11200] =	vst v63  }
0x13e: {  	s26 =	sadd.s32 $0x900, s17;
	s25 =	sadd.s32 $0xA00, s18  }
0x13f: {  	[hbm4b:s26+s3] =	stream.linear.scatter [tilespmem:s25], [sflag:$0x1], $0x80, $0x38;
	[tilespmem:$0x11200] =	vst v63  }
0x140: {  	s29 =	sadd.s32 $0x980, s17;
	s28 =	sadd.s32 $0xE00, s18  }
0x141: {  	[hbm4b:s29+s3] =	stream.linear.scatter [tilespmem:s28], [sflag:$0x1], $0x80, $0x38;
	[tilespmem:$0x11200] =	vst v63  }
0x142: {  	s31 =	sadd.s32 $0xA00, s17;
	s30 =	sadd.s32 $0x1200, s18  }
0x143: {  	[hbm4b:s31+s3] =	stream.linear.scatter [tilespmem:s30], [sflag:$0x1], $0x80, $0x38;
	[tilespmem:$0x11200] =	vst v63  }
0x144: {  	s21 =	sadd.s32 $0x1600, s18;
	s22 =	sadd.s32 $0xA80, s17  }
0x145: {  	[hbm4b:s22+s3] =	stream.linear.scatter [tilespmem:s21], [sflag:$0x1], $0x80, $0x38;
	[tilespmem:$0x11200] =	vst v63  }
0x146: {  	s23 =	sadd.s32 $0x1A00, s18;
	s24 =	sadd.s32 $0xB00, s17  }
0x147: {  	[hbm4b:s24+s3] =	stream.linear.scatter [tilespmem:s23], [sflag:$0x1], $0x80, $0x38;
	[tilespmem:$0x11200] =	vst v63  }
0x148: {  	s25 =	sadd.s32 $0x1E00, s18;
	s26 =	sadd.s32 $0xB80, s17  }
0x149: {  	(v2sf) =	vpush v0, $0x9;
	[hbm4b:s26+s3] =	stream.linear.scatter [tilespmem:s25], [sflag:$0x1], $0x80, $0x38;
	[tilespmem:$0x11200] =	vst v63  }
0x14a: {  	s28 =	sadd.s32 $0x2200, s18;
	s29 =	sadd.s32 $0xC00, s17  }
0x14b: {  	[hbm4b:s29+s3] =	stream.linear.scatter [tilespmem:s28], [sflag:$0x1], $0x80, $0x38;
	[tilespmem:$0x11200] =	vst v63  }
0x14c: {  	s30 =	sadd.s32 $0x2600, s18;
	s31 =	sadd.s32 $0xC80, s17  }
0x14d: {  	[hbm4b:s31+s3] =	stream.linear.scatter [tilespmem:s30], [sflag:$0x1], $0x80, $0x38;
	[tilespmem:$0x11200] =	vst v63  }
0x14e: {  	s20 =	sadd.s32 $0x2A00, s18;
	s21 =	sadd.s32 $0xD00, s17  }
0x14f: {  	[hbm4b:s21+s3] =	stream.linear.scatter [tilespmem:s20], [sflag:$0x1], $0x80, $0x38;
	[tilespmem:$0x11200] =	vst v63  }
0x150: {  	s22 =	sadd.s32 $0x2E00, s18;
	s23 =	sadd.s32 $0xD80, s17  }
0x151: {  	[hbm4b:s23+s3] =	stream.linear.scatter [tilespmem:s22], [sflag:$0x1], $0x80, $0x38;
	[tilespmem:$0x11200] =	vst v63  }
0x152: {  	s24 =	sadd.s32 $0x3200, s18;
	s25 =	sadd.s32 $0xE00, s17  }
0x153: {  	[hbm4b:s25+s3] =	stream.linear.scatter [tilespmem:s24], [sflag:$0x1], $0x80, $0x38;
	[tilespmem:$0x11200] =	vst v63  }
0x154: {  	s26 =	sadd.s32 $0x3600, s18;
	s28 =	sadd.s32 $0xE80, s17  }
0x155: {  	[hbm4b:s28+s3] =	stream.linear.scatter [tilespmem:s26], [sflag:$0x1], $0x80, $0x38;
	[tilespmem:$0x11200] =	vst v63  }
0x156: {  	s29 =	sadd.s32 $0x3A00, s18;
	s30 =	sadd.s32 $0xF00, s17  }
0x157: {  	[hbm4b:s30+s3] =	stream.linear.scatter [tilespmem:s29], [sflag:$0x1], $0x80, $0x38;
	[tilespmem:$0x11200] =	vst v63  }
0x158: {  	s19 =	spop (v2sf);
	s18 =	sadd.s32 $0x3E00, s18;
	s31 =	sadd.s32 $0xF80, s17  }
0x159: {  	[hbm4b:s31+s3] =	stream.linear.scatter [tilespmem:s18], [sflag:$0x1], $0x80, $0x38;
	[tilespmem:$0x11200] =	vst v63  }
0x15a: {  	s20 =	sshll.u32 s19, $0xB;
	s18 =	sshll.u32 s19, $0x7  }
0x15b: {  	s19 =	sand.u32 $0xFFFFC000, s20;
	s18 =	sand.u32 $0x380, s18  }
0x15c: {  	s18 =	sor.u32 s18, s19  }
0x15d: {  	s21 =	sadd.s32 $0x810, s17;
	s22 =	sadd.s32 $0x200, s18  }
0x15e: {  	[hbm4b:s21+s3] =	stream.linear.scatter [tilespmem:s22], [sflag:$0x1], $0x80, $0x38;
	[tilespmem:$0x11200] =	vst v63  }
0x15f: {  	s24 =	sadd.s32 $0x890, s17;
	s23 =	sadd.s32 $0x600, s18  }
0x160: {  	[hbm4b:s24+s3] =	stream.linear.scatter [tilespmem:s23], [sflag:$0x1], $0x80, $0x38;
	[tilespmem:$0x11200] =	vst v63  }
0x161: {  	s26 =	sadd.s32 $0x910, s17;
	s25 =	sadd.s32 $0xA00, s18  }
0x162: {  	[hbm4b:s26+s3] =	stream.linear.scatter [tilespmem:s25], [sflag:$0x1], $0x80, $0x38;
	[tilespmem:$0x11200] =	vst v63  }
0x163: {  	s29 =	sadd.s32 $0x990, s17;
	s28 =	sadd.s32 $0xE00, s18  }
0x164: {  	[hbm4b:s29+s3] =	stream.linear.scatter [tilespmem:s28], [sflag:$0x1], $0x80, $0x38;
	[tilespmem:$0x11200] =	vst v63  }
0x165: {  	s31 =	sadd.s32 $0xA10, s17;
	s30 =	sadd.s32 $0x1200, s18  }
0x166: {  	[hbm4b:s31+s3] =	stream.linear.scatter [tilespmem:s30], [sflag:$0x1], $0x80, $0x38;
	[tilespmem:$0x11200] =	vst v63  }
0x167: {  	s21 =	sadd.s32 $0x1600, s18;
	s22 =	sadd.s32 $0xA90, s17  }
0x168: {  	[hbm4b:s22+s3] =	stream.linear.scatter [tilespmem:s21], [sflag:$0x1], $0x80, $0x38;
	[tilespmem:$0x11200] =	vst v63  }
0x169: {  	s23 =	sadd.s32 $0x1A00, s18;
	s24 =	sadd.s32 $0xB10, s17  }
0x16a: {  	[hbm4b:s24+s3] =	stream.linear.scatter [tilespmem:s23], [sflag:$0x1], $0x80, $0x38;
	[tilespmem:$0x11200] =	vst v63  }
0x16b: {  	s25 =	sadd.s32 $0x1E00, s18;
	s26 =	sadd.s32 $0xB90, s17  }
0x16c: {  	(v2sf) =	vpush v0, $0xA;
	[hbm4b:s26+s3] =	stream.linear.scatter [tilespmem:s25], [sflag:$0x1], $0x80, $0x38;
	[tilespmem:$0x11200] =	vst v63  }
0x16d: {  	s28 =	sadd.s32 $0x2200, s18;
	s29 =	sadd.s32 $0xC10, s17  }
0x16e: {  	[hbm4b:s29+s3] =	stream.linear.scatter [tilespmem:s28], [sflag:$0x1], $0x80, $0x38;
	[tilespmem:$0x11200] =	vst v63  }
0x16f: {  	s30 =	sadd.s32 $0x2600, s18;
	s31 =	sadd.s32 $0xC90, s17  }
0x170: {  	[hbm4b:s31+s3] =	stream.linear.scatter [tilespmem:s30], [sflag:$0x1], $0x80, $0x38;
	[tilespmem:$0x11200] =	vst v63  }
0x171: {  	s20 =	sadd.s32 $0x2A00, s18;
	s21 =	sadd.s32 $0xD10, s17  }
0x172: {  	[hbm4b:s21+s3] =	stream.linear.scatter [tilespmem:s20], [sflag:$0x1], $0x80, $0x38;
	[tilespmem:$0x11200] =	vst v63  }
0x173: {  	s22 =	sadd.s32 $0x2E00, s18;
	s23 =	sadd.s32 $0xD90, s17  }
0x174: {  	[hbm4b:s23+s3] =	stream.linear.scatter [tilespmem:s22], [sflag:$0x1], $0x80, $0x38;
	[tilespmem:$0x11200] =	vst v63  }
0x175: {  	s24 =	sadd.s32 $0x3200, s18;
	s25 =	sadd.s32 $0xE10, s17  }
0x176: {  	[hbm4b:s25+s3] =	stream.linear.scatter [tilespmem:s24], [sflag:$0x1], $0x80, $0x38;
	[tilespmem:$0x11200] =	vst v63  }
0x177: {  	s26 =	sadd.s32 $0x3600, s18;
	s28 =	sadd.s32 $0xE90, s17  }
0x178: {  	[hbm4b:s28+s3] =	stream.linear.scatter [tilespmem:s26], [sflag:$0x1], $0x80, $0x38;
	[tilespmem:$0x11200] =	vst v63  }
0x179: {  	s29 =	sadd.s32 $0x3A00, s18;
	s30 =	sadd.s32 $0xF10, s17  }
0x17a: {  	[hbm4b:s30+s3] =	stream.linear.scatter [tilespmem:s29], [sflag:$0x1], $0x80, $0x38;
	[tilespmem:$0x11200] =	vst v63  }
0x17b: {  	s19 =	spop (v2sf);
	s18 =	sadd.s32 $0x3E00, s18;
	s31 =	sadd.s32 $0xF90, s17  }
0x17c: {  	[hbm4b:s31+s3] =	stream.linear.scatter [tilespmem:s18], [sflag:$0x1], $0x80, $0x38;
	[tilespmem:$0x11200] =	vst v63  }
0x17d: {  	s20 =	sshll.u32 s19, $0xB;
	s18 =	sshll.u32 s19, $0x7  }
0x17e: {  	s19 =	sand.u32 $0xFFFFC000, s20;
	s18 =	sand.u32 $0x380, s18  }
0x17f: {  	s18 =	sor.u32 s18, s19  }
0x180: {  	s21 =	sadd.s32 $0x820, s17;
	s22 =	sadd.s32 $0x200, s18  }
0x181: {  	[hbm4b:s21+s3] =	stream.linear.scatter [tilespmem:s22], [sflag:$0x1], $0x80, $0x38;
	[tilespmem:$0x11200] =	vst v63  }
0x182: {  	s24 =	sadd.s32 $0x8A0, s17;
	s23 =	sadd.s32 $0x600, s18  }
0x183: {  	[hbm4b:s24+s3] =	stream.linear.scatter [tilespmem:s23], [sflag:$0x1], $0x80, $0x38;
	[tilespmem:$0x11200] =	vst v63  }
0x184: {  	s26 =	sadd.s32 $0x920, s17;
	s25 =	sadd.s32 $0xA00, s18  }
0x185: {  	[hbm4b:s26+s3] =	stream.linear.scatter [tilespmem:s25], [sflag:$0x1], $0x80, $0x38;
	[tilespmem:$0x11200] =	vst v63  }
0x186: {  	s29 =	sadd.s32 $0x9A0, s17;
	s28 =	sadd.s32 $0xE00, s18  }
0x187: {  	[hbm4b:s29+s3] =	stream.linear.scatter [tilespmem:s28], [sflag:$0x1], $0x80, $0x38;
	[tilespmem:$0x11200] =	vst v63  }
0x188: {  	s31 =	sadd.s32 $0xA20, s17;
	s30 =	sadd.s32 $0x1200, s18  }
0x189: {  	[hbm4b:s31+s3] =	stream.linear.scatter [tilespmem:s30], [sflag:$0x1], $0x80, $0x38;
	[tilespmem:$0x11200] =	vst v63  }
0x18a: {  	s21 =	sadd.s32 $0x1600, s18;
	s22 =	sadd.s32 $0xAA0, s17  }
0x18b: {  	[hbm4b:s22+s3] =	stream.linear.scatter [tilespmem:s21], [sflag:$0x1], $0x80, $0x38;
	[tilespmem:$0x11200] =	vst v63  }
0x18c: {  	s23 =	sadd.s32 $0x1A00, s18;
	s24 =	sadd.s32 $0xB20, s17  }
0x18d: {  	[hbm4b:s24+s3] =	stream.linear.scatter [tilespmem:s23], [sflag:$0x1], $0x80, $0x38;
	[tilespmem:$0x11200] =	vst v63  }
0x18e: {  	s25 =	sadd.s32 $0x1E00, s18;
	s26 =	sadd.s32 $0xBA0, s17  }
0x18f: {  	(v2sf) =	vpush v0, $0xB;
	[hbm4b:s26+s3] =	stream.linear.scatter [tilespmem:s25], [sflag:$0x1], $0x80, $0x38;
	[tilespmem:$0x11200] =	vst v63  }
0x190: {  	s28 =	sadd.s32 $0x2200, s18;
	s29 =	sadd.s32 $0xC20, s17  }
0x191: {  	[hbm4b:s29+s3] =	stream.linear.scatter [tilespmem:s28], [sflag:$0x1], $0x80, $0x38;
	[tilespmem:$0x11200] =	vst v63  }
0x192: {  	s30 =	sadd.s32 $0x2600, s18;
	s31 =	sadd.s32 $0xCA0, s17  }
0x193: {  	[hbm4b:s31+s3] =	stream.linear.scatter [tilespmem:s30], [sflag:$0x1], $0x80, $0x38;
	[tilespmem:$0x11200] =	vst v63  }
0x194: {  	s20 =	sadd.s32 $0x2A00, s18;
	s21 =	sadd.s32 $0xD20, s17  }
0x195: {  	[hbm4b:s21+s3] =	stream.linear.scatter [tilespmem:s20], [sflag:$0x1], $0x80, $0x38;
	[tilespmem:$0x11200] =	vst v63  }
0x196: {  	s22 =	sadd.s32 $0x2E00, s18;
	s23 =	sadd.s32 $0xDA0, s17  }
0x197: {  	[hbm4b:s23+s3] =	stream.linear.scatter [tilespmem:s22], [sflag:$0x1], $0x80, $0x38;
	[tilespmem:$0x11200] =	vst v63  }
0x198: {  	s24 =	sadd.s32 $0x3200, s18;
	s25 =	sadd.s32 $0xE20, s17  }
0x199: {  	[hbm4b:s25+s3] =	stream.linear.scatter [tilespmem:s24], [sflag:$0x1], $0x80, $0x38;
	[tilespmem:$0x11200] =	vst v63  }
0x19a: {  	s26 =	sadd.s32 $0x3600, s18;
	s28 =	sadd.s32 $0xEA0, s17  }
0x19b: {  	[hbm4b:s28+s3] =	stream.linear.scatter [tilespmem:s26], [sflag:$0x1], $0x80, $0x38;
	[tilespmem:$0x11200] =	vst v63  }
0x19c: {  	s29 =	sadd.s32 $0x3A00, s18;
	s30 =	sadd.s32 $0xF20, s17  }
0x19d: {  	[hbm4b:s30+s3] =	stream.linear.scatter [tilespmem:s29], [sflag:$0x1], $0x80, $0x38;
	[tilespmem:$0x11200] =	vst v63  }
0x19e: {  	s19 =	spop (v2sf);
	s18 =	sadd.s32 $0x3E00, s18;
	s31 =	sadd.s32 $0xFA0, s17  }
0x19f: {  	[hbm4b:s31+s3] =	stream.linear.scatter [tilespmem:s18], [sflag:$0x1], $0x80, $0x38;
	[tilespmem:$0x11200] =	vst v63  }
0x1a0: {  	s20 =	sshll.u32 s19, $0xB;
	s18 =	sshll.u32 s19, $0x7  }
0x1a1: {  	s19 =	sand.u32 $0xFFFFC000, s20;
	s18 =	sand.u32 $0x380, s18  }
0x1a2: {  	s18 =	sor.u32 s18, s19  }
0x1a3: {  	s21 =	sadd.s32 $0x830, s17;
	s22 =	sadd.s32 $0x200, s18  }
0x1a4: {  	[hbm4b:s21+s3] =	stream.linear.scatter [tilespmem:s22], [sflag:$0x1], $0x80, $0x38;
	[tilespmem:$0x11200] =	vst v63  }
0x1a5: {  	s24 =	sadd.s32 $0x8B0, s17;
	s23 =	sadd.s32 $0x600, s18  }
0x1a6: {  	[hbm4b:s24+s3] =	stream.linear.scatter [tilespmem:s23], [sflag:$0x1], $0x80, $0x38;
	[tilespmem:$0x11200] =	vst v63  }
0x1a7: {  	s26 =	sadd.s32 $0x930, s17;
	s25 =	sadd.s32 $0xA00, s18  }
0x1a8: {  	[hbm4b:s26+s3] =	stream.linear.scatter [tilespmem:s25], [sflag:$0x1], $0x80, $0x38;
	[tilespmem:$0x11200] =	vst v63  }
0x1a9: {  	s29 =	sadd.s32 $0x9B0, s17;
	s28 =	sadd.s32 $0xE00, s18  }
0x1aa: {  	[hbm4b:s29+s3] =	stream.linear.scatter [tilespmem:s28], [sflag:$0x1], $0x80, $0x38;
	[tilespmem:$0x11200] =	vst v63  }
0x1ab: {  	s31 =	sadd.s32 $0xA30, s17;
	s30 =	sadd.s32 $0x1200, s18  }
0x1ac: {  	[hbm4b:s31+s3] =	stream.linear.scatter [tilespmem:s30], [sflag:$0x1], $0x80, $0x38;
	[tilespmem:$0x11200] =	vst v63  }
0x1ad: {  	s21 =	sadd.s32 $0x1600, s18;
	s22 =	sadd.s32 $0xAB0, s17  }
0x1ae: {  	[hbm4b:s22+s3] =	stream.linear.scatter [tilespmem:s21], [sflag:$0x1], $0x80, $0x38;
	[tilespmem:$0x11200] =	vst v63  }
0x1af: {  	s23 =	sadd.s32 $0x1A00, s18;
	s24 =	sadd.s32 $0xB30, s17  }
0x1b0: {  	[hbm4b:s24+s3] =	stream.linear.scatter [tilespmem:s23], [sflag:$0x1], $0x80, $0x38;
	[tilespmem:$0x11200] =	vst v63  }
0x1b1: {  	s25 =	sadd.s32 $0x1E00, s18;
	s26 =	sadd.s32 $0xBB0, s17  }
0x1b2: {  	(v2sf) =	vpush v0, $0xC;
	[hbm4b:s26+s3] =	stream.linear.scatter [tilespmem:s25], [sflag:$0x1], $0x80, $0x38;
	[tilespmem:$0x11200] =	vst v63  }
0x1b3: {  	s28 =	sadd.s32 $0x2200, s18;
	s29 =	sadd.s32 $0xC30, s17  }
0x1b4: {  	[hbm4b:s29+s3] =	stream.linear.scatter [tilespmem:s28], [sflag:$0x1], $0x80, $0x38;
	[tilespmem:$0x11200] =	vst v63  }
0x1b5: {  	s30 =	sadd.s32 $0x2600, s18;
	s31 =	sadd.s32 $0xCB0, s17  }
0x1b6: {  	[hbm4b:s31+s3] =	stream.linear.scatter [tilespmem:s30], [sflag:$0x1], $0x80, $0x38;
	[tilespmem:$0x11200] =	vst v63  }
0x1b7: {  	s20 =	sadd.s32 $0x2A00, s18;
	s21 =	sadd.s32 $0xD30, s17  }
0x1b8: {  	[hbm4b:s21+s3] =	stream.linear.scatter [tilespmem:s20], [sflag:$0x1], $0x80, $0x38;
	[tilespmem:$0x11200] =	vst v63  }
0x1b9: {  	s22 =	sadd.s32 $0x2E00, s18;
	s23 =	sadd.s32 $0xDB0, s17  }
0x1ba: {  	[hbm4b:s23+s3] =	stream.linear.scatter [tilespmem:s22], [sflag:$0x1], $0x80, $0x38;
	[tilespmem:$0x11200] =	vst v63  }
0x1bb: {  	s24 =	sadd.s32 $0x3200, s18;
	s25 =	sadd.s32 $0xE30, s17  }
0x1bc: {  	[hbm4b:s25+s3] =	stream.linear.scatter [tilespmem:s24], [sflag:$0x1], $0x80, $0x38;
	[tilespmem:$0x11200] =	vst v63  }
0x1bd: {  	s26 =	sadd.s32 $0x3600, s18;
	s28 =	sadd.s32 $0xEB0, s17  }
0x1be: {  	[hbm4b:s28+s3] =	stream.linear.scatter [tilespmem:s26], [sflag:$0x1], $0x80, $0x38;
	[tilespmem:$0x11200] =	vst v63  }
0x1bf: {  	s29 =	sadd.s32 $0x3A00, s18;
	s30 =	sadd.s32 $0xF30, s17  }
0x1c0: {  	[hbm4b:s30+s3] =	stream.linear.scatter [tilespmem:s29], [sflag:$0x1], $0x80, $0x38;
	[tilespmem:$0x11200] =	vst v63  }
0x1c1: {  	s19 =	spop (v2sf);
	s18 =	sadd.s32 $0x3E00, s18;
	s31 =	sadd.s32 $0xFB0, s17  }
0x1c2: {  	[hbm4b:s31+s3] =	stream.linear.scatter [tilespmem:s18], [sflag:$0x1], $0x80, $0x38;
	[tilespmem:$0x11200] =	vst v63  }
0x1c3: {  	s20 =	sshll.u32 s19, $0xB;
	s18 =	sshll.u32 s19, $0x7  }
0x1c4: {  	s19 =	sand.u32 $0xFFFFC000, s20;
	s18 =	sand.u32 $0x380, s18  }
0x1c5: {  	s18 =	sor.u32 s18, s19  }
0x1c6: {  	s21 =	sadd.s32 $0x840, s17;
	s22 =	sadd.s32 $0x200, s18  }
0x1c7: {  	[hbm4b:s21+s3] =	stream.linear.scatter [tilespmem:s22], [sflag:$0x1], $0x80, $0x38;
	[tilespmem:$0x11200] =	vst v63  }
0x1c8: {  	s24 =	sadd.s32 $0x8C0, s17;
	s23 =	sadd.s32 $0x600, s18  }
0x1c9: {  	[hbm4b:s24+s3] =	stream.linear.scatter [tilespmem:s23], [sflag:$0x1], $0x80, $0x38;
	[tilespmem:$0x11200] =	vst v63  }
0x1ca: {  	s26 =	sadd.s32 $0x940, s17;
	s25 =	sadd.s32 $0xA00, s18  }
0x1cb: {  	[hbm4b:s26+s3] =	stream.linear.scatter [tilespmem:s25], [sflag:$0x1], $0x80, $0x38;
	[tilespmem:$0x11200] =	vst v63  }
0x1cc: {  	s29 =	sadd.s32 $0x9C0, s17;
	s28 =	sadd.s32 $0xE00, s18  }
0x1cd: {  	[hbm4b:s29+s3] =	stream.linear.scatter [tilespmem:s28], [sflag:$0x1], $0x80, $0x38;
	[tilespmem:$0x11200] =	vst v63  }
0x1ce: {  	s31 =	sadd.s32 $0xA40, s17;
	s30 =	sadd.s32 $0x1200, s18  }
0x1cf: {  	[hbm4b:s31+s3] =	stream.linear.scatter [tilespmem:s30], [sflag:$0x1], $0x80, $0x38;
	[tilespmem:$0x11200] =	vst v63  }
0x1d0: {  	s21 =	sadd.s32 $0x1600, s18;
	s22 =	sadd.s32 $0xAC0, s17  }
0x1d1: {  	[hbm4b:s22+s3] =	stream.linear.scatter [tilespmem:s21], [sflag:$0x1], $0x80, $0x38;
	[tilespmem:$0x11200] =	vst v63  }
0x1d2: {  	s23 =	sadd.s32 $0x1A00, s18;
	s24 =	sadd.s32 $0xB40, s17  }
0x1d3: {  	[hbm4b:s24+s3] =	stream.linear.scatter [tilespmem:s23], [sflag:$0x1], $0x80, $0x38;
	[tilespmem:$0x11200] =	vst v63  }
0x1d4: {  	s25 =	sadd.s32 $0x1E00, s18;
	s26 =	sadd.s32 $0xBC0, s17  }
0x1d5: {  	(v2sf) =	vpush v0, $0xD;
	[hbm4b:s26+s3] =	stream.linear.scatter [tilespmem:s25], [sflag:$0x1], $0x80, $0x38;
	[tilespmem:$0x11200] =	vst v63  }
0x1d6: {  	s28 =	sadd.s32 $0x2200, s18;
	s29 =	sadd.s32 $0xC40, s17  }
0x1d7: {  	[hbm4b:s29+s3] =	stream.linear.scatter [tilespmem:s28], [sflag:$0x1], $0x80, $0x38;
	[tilespmem:$0x11200] =	vst v63  }
0x1d8: {  	s30 =	sadd.s32 $0x2600, s18;
	s31 =	sadd.s32 $0xCC0, s17  }
0x1d9: {  	[hbm4b:s31+s3] =	stream.linear.scatter [tilespmem:s30], [sflag:$0x1], $0x80, $0x38;
	[tilespmem:$0x11200] =	vst v63  }
0x1da: {  	s20 =	sadd.s32 $0x2A00, s18;
	s21 =	sadd.s32 $0xD40, s17  }
0x1db: {  	[hbm4b:s21+s3] =	stream.linear.scatter [tilespmem:s20], [sflag:$0x1], $0x80, $0x38;
	[tilespmem:$0x11200] =	vst v63  }
0x1dc: {  	s22 =	sadd.s32 $0x2E00, s18;
	s23 =	sadd.s32 $0xDC0, s17  }
0x1dd: {  	[hbm4b:s23+s3] =	stream.linear.scatter [tilespmem:s22], [sflag:$0x1], $0x80, $0x38;
	[tilespmem:$0x11200] =	vst v63  }
0x1de: {  	s24 =	sadd.s32 $0x3200, s18;
	s25 =	sadd.s32 $0xE40, s17  }
0x1df: {  	[hbm4b:s25+s3] =	stream.linear.scatter [tilespmem:s24], [sflag:$0x1], $0x80, $0x38;
	[tilespmem:$0x11200] =	vst v63  }
0x1e0: {  	s26 =	sadd.s32 $0x3600, s18;
	s28 =	sadd.s32 $0xEC0, s17  }
0x1e1: {  	[hbm4b:s28+s3] =	stream.linear.scatter [tilespmem:s26], [sflag:$0x1], $0x80, $0x38;
	[tilespmem:$0x11200] =	vst v63  }
0x1e2: {  	s29 =	sadd.s32 $0x3A00, s18;
	s30 =	sadd.s32 $0xF40, s17  }
0x1e3: {  	[hbm4b:s30+s3] =	stream.linear.scatter [tilespmem:s29], [sflag:$0x1], $0x80, $0x38;
	[tilespmem:$0x11200] =	vst v63  }
0x1e4: {  	s19 =	spop (v2sf);
	s18 =	sadd.s32 $0x3E00, s18;
	s31 =	sadd.s32 $0xFC0, s17  }
0x1e5: {  	[hbm4b:s31+s3] =	stream.linear.scatter [tilespmem:s18], [sflag:$0x1], $0x80, $0x38;
	[tilespmem:$0x11200] =	vst v63  }
0x1e6: {  	s20 =	sshll.u32 s19, $0xB;
	s18 =	sshll.u32 s19, $0x7  }
0x1e7: {  	s19 =	sand.u32 $0xFFFFC000, s20;
	s18 =	sand.u32 $0x380, s18  }
0x1e8: {  	s18 =	sor.u32 s18, s19  }
0x1e9: {  	s21 =	sadd.s32 $0x850, s17;
	s22 =	sadd.s32 $0x200, s18  }
0x1ea: {  	[hbm4b:s21+s3] =	stream.linear.scatter [tilespmem:s22], [sflag:$0x1], $0x80, $0x38;
	[tilespmem:$0x11200] =	vst v63  }
0x1eb: {  	s24 =	sadd.s32 $0x8D0, s17;
	s23 =	sadd.s32 $0x600, s18  }
0x1ec: {  	[hbm4b:s24+s3] =	stream.linear.scatter [tilespmem:s23], [sflag:$0x1], $0x80, $0x38;
	[tilespmem:$0x11200] =	vst v63  }
0x1ed: {  	s26 =	sadd.s32 $0x950, s17;
	s25 =	sadd.s32 $0xA00, s18  }
0x1ee: {  	[hbm4b:s26+s3] =	stream.linear.scatter [tilespmem:s25], [sflag:$0x1], $0x80, $0x38;
	[tilespmem:$0x11200] =	vst v63  }
0x1ef: {  	s29 =	sadd.s32 $0x9D0, s17;
	s28 =	sadd.s32 $0xE00, s18  }
0x1f0: {  	[hbm4b:s29+s3] =	stream.linear.scatter [tilespmem:s28], [sflag:$0x1], $0x80, $0x38;
	[tilespmem:$0x11200] =	vst v63  }
0x1f1: {  	s31 =	sadd.s32 $0xA50, s17;
	s30 =	sadd.s32 $0x1200, s18  }
0x1f2: {  	[hbm4b:s31+s3] =	stream.linear.scatter [tilespmem:s30], [sflag:$0x1], $0x80, $0x38;
	[tilespmem:$0x11200] =	vst v63  }
0x1f3: {  	s21 =	sadd.s32 $0x1600, s18;
	s22 =	sadd.s32 $0xAD0, s17  }
0x1f4: {  	[hbm4b:s22+s3] =	stream.linear.scatter [tilespmem:s21], [sflag:$0x1], $0x80, $0x38;
	[tilespmem:$0x11200] =	vst v63  }
0x1f5: {  	s23 =	sadd.s32 $0x1A00, s18;
	s24 =	sadd.s32 $0xB50, s17  }
0x1f6: {  	[hbm4b:s24+s3] =	stream.linear.scatter [tilespmem:s23], [sflag:$0x1], $0x80, $0x38;
	[tilespmem:$0x11200] =	vst v63  }
0x1f7: {  	s25 =	sadd.s32 $0x1E00, s18;
	s26 =	sadd.s32 $0xBD0, s17  }
0x1f8: {  	(v2sf) =	vpush v0, $0xE;
	[hbm4b:s26+s3] =	stream.linear.scatter [tilespmem:s25], [sflag:$0x1], $0x80, $0x38;
	[tilespmem:$0x11200] =	vst v63  }
0x1f9: {  	s28 =	sadd.s32 $0x2200, s18;
	s29 =	sadd.s32 $0xC50, s17  }
0x1fa: {  	[hbm4b:s29+s3] =	stream.linear.scatter [tilespmem:s28], [sflag:$0x1], $0x80, $0x38;
	[tilespmem:$0x11200] =	vst v63  }
0x1fb: {  	s30 =	sadd.s32 $0x2600, s18;
	s31 =	sadd.s32 $0xCD0, s17  }
0x1fc: {  	[hbm4b:s31+s3] =	stream.linear.scatter [tilespmem:s30], [sflag:$0x1], $0x80, $0x38;
	[tilespmem:$0x11200] =	vst v63  }
0x1fd: {  	s20 =	sadd.s32 $0x2A00, s18;
	s21 =	sadd.s32 $0xD50, s17  }
0x1fe: {  	[hbm4b:s21+s3] =	stream.linear.scatter [tilespmem:s20], [sflag:$0x1], $0x80, $0x38;
	[tilespmem:$0x11200] =	vst v63  }
0x1ff: {  	s22 =	sadd.s32 $0x2E00, s18;
	s23 =	sadd.s32 $0xDD0, s17  }
0x200: {  	[hbm4b:s23+s3] =	stream.linear.scatter [tilespmem:s22], [sflag:$0x1], $0x80, $0x38;
	[tilespmem:$0x11200] =	vst v63  }
0x201: {  	s24 =	sadd.s32 $0x3200, s18;
	s25 =	sadd.s32 $0xE50, s17  }
0x202: {  	[hbm4b:s25+s3] =	stream.linear.scatter [tilespmem:s24], [sflag:$0x1], $0x80, $0x38;
	[tilespmem:$0x11200] =	vst v63  }
0x203: {  	s26 =	sadd.s32 $0x3600, s18;
	s28 =	sadd.s32 $0xED0, s17  }
0x204: {  	[hbm4b:s28+s3] =	stream.linear.scatter [tilespmem:s26], [sflag:$0x1], $0x80, $0x38;
	[tilespmem:$0x11200] =	vst v63  }
0x205: {  	s29 =	sadd.s32 $0x3A00, s18;
	s30 =	sadd.s32 $0xF50, s17  }
0x206: {  	[hbm4b:s30+s3] =	stream.linear.scatter [tilespmem:s29], [sflag:$0x1], $0x80, $0x38;
	[tilespmem:$0x11200] =	vst v63  }
0x207: {  	s19 =	spop (v2sf);
	s18 =	sadd.s32 $0x3E00, s18;
	s31 =	sadd.s32 $0xFD0, s17  }
0x208: {  	[hbm4b:s31+s3] =	stream.linear.scatter [tilespmem:s18], [sflag:$0x1], $0x80, $0x38;
	[tilespmem:$0x11200] =	vst v63  }
0x209: {  	s20 =	sshll.u32 s19, $0xB;
	s18 =	sshll.u32 s19, $0x7  }
0x20a: {  	s19 =	sand.u32 $0xFFFFC000, s20;
	s18 =	sand.u32 $0x380, s18  }
0x20b: {  	s18 =	sor.u32 s18, s19  }
0x20c: {  	s21 =	sadd.s32 $0x860, s17;
	s22 =	sadd.s32 $0x200, s18  }
0x20d: {  	[hbm4b:s21+s3] =	stream.linear.scatter [tilespmem:s22], [sflag:$0x1], $0x80, $0x38;
	[tilespmem:$0x11200] =	vst v63  }
0x20e: {  	s24 =	sadd.s32 $0x8E0, s17;
	s23 =	sadd.s32 $0x600, s18  }
0x20f: {  	[hbm4b:s24+s3] =	stream.linear.scatter [tilespmem:s23], [sflag:$0x1], $0x80, $0x38;
	[tilespmem:$0x11200] =	vst v63  }
0x210: {  	s26 =	sadd.s32 $0x960, s17;
	s25 =	sadd.s32 $0xA00, s18  }
0x211: {  	[hbm4b:s26+s3] =	stream.linear.scatter [tilespmem:s25], [sflag:$0x1], $0x80, $0x38;
	[tilespmem:$0x11200] =	vst v63  }
0x212: {  	s29 =	sadd.s32 $0x9E0, s17;
	s28 =	sadd.s32 $0xE00, s18  }
0x213: {  	[hbm4b:s29+s3] =	stream.linear.scatter [tilespmem:s28], [sflag:$0x1], $0x80, $0x38;
	[tilespmem:$0x11200] =	vst v63  }
0x214: {  	s31 =	sadd.s32 $0xA60, s17;
	s30 =	sadd.s32 $0x1200, s18  }
0x215: {  	[hbm4b:s31+s3] =	stream.linear.scatter [tilespmem:s30], [sflag:$0x1], $0x80, $0x38;
	[tilespmem:$0x11200] =	vst v63  }
0x216: {  	s21 =	sadd.s32 $0x1600, s18;
	s22 =	sadd.s32 $0xAE0, s17  }
0x217: {  	[hbm4b:s22+s3] =	stream.linear.scatter [tilespmem:s21], [sflag:$0x1], $0x80, $0x38;
	[tilespmem:$0x11200] =	vst v63  }
0x218: {  	s23 =	sadd.s32 $0x1A00, s18;
	s24 =	sadd.s32 $0xB60, s17  }
0x219: {  	[hbm4b:s24+s3] =	stream.linear.scatter [tilespmem:s23], [sflag:$0x1], $0x80, $0x38;
	[tilespmem:$0x11200] =	vst v63  }
0x21a: {  	s25 =	sadd.s32 $0x1E00, s18;
	s26 =	sadd.s32 $0xBE0, s17  }
0x21b: {  	(v2sf) =	vpush v0, $0xF;
	[hbm4b:s26+s3] =	stream.linear.scatter [tilespmem:s25], [sflag:$0x1], $0x80, $0x38;
	[tilespmem:$0x11200] =	vst v63  }
0x21c: {  	s28 =	sadd.s32 $0x2200, s18;
	s29 =	sadd.s32 $0xC60, s17  }
0x21d: {  	[hbm4b:s29+s3] =	stream.linear.scatter [tilespmem:s28], [sflag:$0x1], $0x80, $0x38;
	[tilespmem:$0x11200] =	vst v63  }
0x21e: {  	s30 =	sadd.s32 $0x2600, s18;
	s31 =	sadd.s32 $0xCE0, s17  }
0x21f: {  	[hbm4b:s31+s3] =	stream.linear.scatter [tilespmem:s30], [sflag:$0x1], $0x80, $0x38;
	[tilespmem:$0x11200] =	vst v63  }
0x220: {  	s20 =	sadd.s32 $0x2A00, s18;
	s21 =	sadd.s32 $0xD60, s17  }
0x221: {  	[hbm4b:s21+s3] =	stream.linear.scatter [tilespmem:s20], [sflag:$0x1], $0x80, $0x38;
	[tilespmem:$0x11200] =	vst v63  }
0x222: {  	s22 =	sadd.s32 $0x2E00, s18;
	s23 =	sadd.s32 $0xDE0, s17  }
0x223: {  	[hbm4b:s23+s3] =	stream.linear.scatter [tilespmem:s22], [sflag:$0x1], $0x80, $0x38;
	[tilespmem:$0x11200] =	vst v63  }
0x224: {  	s24 =	sadd.s32 $0x3200, s18;
	s25 =	sadd.s32 $0xE60, s17  }
0x225: {  	[hbm4b:s25+s3] =	stream.linear.scatter [tilespmem:s24], [sflag:$0x1], $0x80, $0x38;
	[tilespmem:$0x11200] =	vst v63  }
0x226: {  	s26 =	sadd.s32 $0x3600, s18;
	s28 =	sadd.s32 $0xEE0, s17  }
0x227: {  	[hbm4b:s28+s3] =	stream.linear.scatter [tilespmem:s26], [sflag:$0x1], $0x80, $0x38;
	[tilespmem:$0x11200] =	vst v63  }
0x228: {  	s29 =	sadd.s32 $0x3A00, s18;
	s30 =	sadd.s32 $0xF60, s17  }
0x229: {  	[hbm4b:s30+s3] =	stream.linear.scatter [tilespmem:s29], [sflag:$0x1], $0x80, $0x38;
	[tilespmem:$0x11200] =	vst v63  }
0x22a: {  	s19 =	spop (v2sf);
	s18 =	sadd.s32 $0x3E00, s18;
	s31 =	sadd.s32 $0xFE0, s17  }
0x22b: {  	[hbm4b:s31+s3] =	stream.linear.scatter [tilespmem:s18], [sflag:$0x1], $0x80, $0x38;
	[tilespmem:$0x11200] =	vst v63  }
0x22c: {  	s20 =	sshll.u32 s19, $0xB;
	s18 =	sshll.u32 s19, $0x7  }
0x22d: {  	s19 =	sand.u32 $0xFFFFC000, s20;
	s18 =	sand.u32 $0x380, s18  }
0x22e: {  	s18 =	sor.u32 s18, s19  }
0x22f: {  	s21 =	sadd.s32 $0x870, s17;
	s22 =	sadd.s32 $0x200, s18  }
0x230: {  	[hbm4b:s21+s3] =	stream.linear.scatter [tilespmem:s22], [sflag:$0x1], $0x80, $0x38;
	[tilespmem:$0x11200] =	vst v63  }
0x231: {  	s24 =	sadd.s32 $0x8F0, s17;
	s23 =	sadd.s32 $0x600, s18  }
0x232: {  	[hbm4b:s24+s3] =	stream.linear.scatter [tilespmem:s23], [sflag:$0x1], $0x80, $0x38;
	[tilespmem:$0x11200] =	vst v63  }
0x233: {  	s26 =	sadd.s32 $0x970, s17;
	s25 =	sadd.s32 $0xA00, s18  }
0x234: {  	[hbm4b:s26+s3] =	stream.linear.scatter [tilespmem:s25], [sflag:$0x1], $0x80, $0x38;
	[tilespmem:$0x11200] =	vst v63  }
0x235: {  	s29 =	sadd.s32 $0x9F0, s17;
	s28 =	sadd.s32 $0xE00, s18  }
0x236: {  	[hbm4b:s29+s3] =	stream.linear.scatter [tilespmem:s28], [sflag:$0x1], $0x80, $0x38;
	[tilespmem:$0x11200] =	vst v63  }
0x237: {  	s31 =	sadd.s32 $0xA70, s17;
	s30 =	sadd.s32 $0x1200, s18  }
0x238: {  	[hbm4b:s31+s3] =	stream.linear.scatter [tilespmem:s30], [sflag:$0x1], $0x80, $0x38;
	[tilespmem:$0x11200] =	vst v63  }
0x239: {  	s21 =	sadd.s32 $0x1600, s18;
	s22 =	sadd.s32 $0xAF0, s17  }
0x23a: {  	[hbm4b:s22+s3] =	stream.linear.scatter [tilespmem:s21], [sflag:$0x1], $0x80, $0x38;
	[tilespmem:$0x11200] =	vst v63  }
0x23b: {  	s23 =	sadd.s32 $0x1A00, s18;
	s24 =	sadd.s32 $0xB70, s17  }
0x23c: {  	[hbm4b:s24+s3] =	stream.linear.scatter [tilespmem:s23], [sflag:$0x1], $0x80, $0x38;
	[tilespmem:$0x11200] =	vst v63  }
0x23d: {  	s25 =	sadd.s32 $0x1E00, s18;
	s26 =	sadd.s32 $0xBF0, s17  }
0x23e: {  	[hbm4b:s26+s3] =	stream.linear.scatter [tilespmem:s25], [sflag:$0x1], $0x80, $0x38;
	[tilespmem:$0x11200] =	vst v63  }
0x23f: {  	s28 =	sadd.s32 $0x2200, s18;
	s29 =	sadd.s32 $0xC70, s17  }
0x240: {  	[hbm4b:s29+s3] =	stream.linear.scatter [tilespmem:s28], [sflag:$0x1], $0x80, $0x38;
	[tilespmem:$0x11200] =	vst v63  }
0x241: {  	s30 =	sadd.s32 $0x2600, s18;
	s31 =	sadd.s32 $0xCF0, s17  }
0x242: {  	[hbm4b:s31+s3] =	stream.linear.scatter [tilespmem:s30], [sflag:$0x1], $0x80, $0x38;
	[tilespmem:$0x11200] =	vst v63  }
0x243: {  	s21 =	sadd.s32 $0x2A00, s18;
	s22 =	sadd.s32 $0xD70, s17  }
0x244: {  	[hbm4b:s22+s3] =	stream.linear.scatter [tilespmem:s21], [sflag:$0x1], $0x80, $0x38;
	[tilespmem:$0x11200] =	vst v63  }
0x245: {  	s23 =	sadd.s32 $0x2E00, s18;
	s24 =	sadd.s32 $0xDF0, s17  }
0x246: {  	[hbm4b:s24+s3] =	stream.linear.scatter [tilespmem:s23], [sflag:$0x1], $0x80, $0x38;
	[tilespmem:$0x11200] =	vst v63  }
0x247: {  	s25 =	sadd.s32 $0x3200, s18;
	s26 =	sadd.s32 $0xE70, s17  }
0x248: {  	[hbm4b:s26+s3] =	stream.linear.scatter [tilespmem:s25], [sflag:$0x1], $0x80, $0x38;
	[tilespmem:$0x11200] =	vst v63  }
0x249: {  	s28 =	sadd.s32 $0x3600, s18;
	s29 =	sadd.s32 $0xEF0, s17  }
0x24a: {  	[hbm4b:s29+s3] =	stream.linear.scatter [tilespmem:s28], [sflag:$0x1], $0x80, $0x38;
	[tilespmem:$0x11200] =	vst v63  }
0x24b: {  	p0 =	sne.s32 s16, $0x1F000;
	s30 =	sadd.s32 $0x3A00, s18;
	s31 =	sadd.s32 $0xF70, s17  }
0x24c: {  	[hbm4b:s31+s3] =	stream.linear.scatter [tilespmem:s30], [sflag:$0x1], $0x80, $0x38;
	[tilespmem:$0x11200] =	vst v63  }
.Ltmp0:
0x24d: {  	s18 =	sadd.s32 $0x3E00, s18;
	s17 =	sadd.s32 $0xFF0, s17;
	(pc) =	sbr.rel @p0 .LBB2_2-.Ltmp0, $4  }
0x24e: {  	[hbm4b:s17+s3] =	stream.linear.scatter [tilespmem:s18], [sflag:$0x1], $0x80, $0x38;
	[tilespmem:$0x11200] =	vst v63  }
0x24f: {  	_ =	swait.ge [sflag:s13], $0x8000  }
0x250: {  	[sflag:s13] =	ssyncset.done $0x0  }
0x251: {  	s15 =	sadd.s32 $0x10, s15;
	s16 =	sadd.s32 $0x1000, s16;
	[sflag:s13] =	ssyncadd.s32 $0xFFFF8000  }
0x252: {  	s14 =	sadd.s32 $0x1, s14  }
0x253: {  	p0 =	sne.s32 s14, s7  }
.Ltmp1:
0x254: {  	_ = 	snop;
	(pc) =	sbr.rel @p0 .LBB2_1-.Ltmp1, $1  }
0x255: {  	_ =	sdelay $0x3  }
0x256: {  	_ =	sfence.sel $0x180000  }
0x257: {  	[bflag:$0x0] =	sbarrier.arrive $0xFFFF  }
0x258: {  	p0 =	sne.s32 s1, $0x0;
	_ =	strace $0x90000047  }
0x259: {  	s0 =	sadd.s32 @!p0 $0x100000, s0;
	[bflag:$0x2] =	sbarrier.arrive $0xFFFF  }
0x25a: {  	[sflag:s0] =	ssyncadd.tile.s32 @!p0 $0x1;
	_ =	shalt  }
.Lfunc_end2:
_tile_overlayer_lowered:
.L_overlay_start_2:
0x25b: {  	(tag) =	ssettag $0x2  }
0x25c: {  	s0 =	rddreg [dreg:$0x0];
	s2 =	stileid.u32  }
0x25d: {  	s1 =	rddreg [dreg:$0x1];
	p0 =	sne.s32 s2, $0x0  }
0x25e: {  	s3 =	rddreg [dreg:$0x2];
	[bflag:$0x3] =	sbarrier.arrive $0xFFFF;
	s2 =	simm.s32 @!p0 $0x1C03  }
0x25f: {  	[timem:s3], [sflag:s2] =	dma.local @!p0 [hbm:s0], s1  }
0x260: {  	s0 =	simm.s32 @!p0 $0x3  }
0x261: {  	_ =	swait.ge @!p0 [sflag:s0], s1  }
0x262: {  	s1 =	ssub.s32 @!p0 $0x0, s1;
	[sflag:s0] =	ssyncset.done @!p0 $0x0  }
0x263: {  	[sflag:s0] =	ssyncadd.s32 @!p0 s1  }
0x264: {  	[bflag:$0x3] =	sbarrier.arrive $0xFFFF  }
0x265: {  	_ =	shalt  }

</sc_bundles>
